<compile_context>
chip_gen: v7x
topology: tpu7x:2x2x1
jax: 0.10.2.dev20260603
libtpu: 0.0.44.dev20260713+nightly
codegen_flags: <defaults>
</compile_context>

<pallas_src>
import functools

import jax
import jax.numpy as jnp
from jax import lax
from jax.experimental import pallas as pl
from jax.experimental.pallas import tpu as pltpu
from jax.experimental.pallas import tpu_sc as plsc

_T, _D, _F, _E, _K = 2048, 1024, 2048, 8, 2
_B = 512
_FC = 512
_A = _T * _K
_NB = _A // _B + _E - 1
_NPAD = _NB * _B

_NC = 2
_NS = 16
_NW = _NC * _NS
_APW = _A // _NW
_GCH = 64
_TPW = _T // _NW
_CCH = 32
_L = 16

_sc_mesh = plsc.VectorSubcoreMesh(core_axis_name="c", subcore_axis_name="s")


def _router_body(x_ref, wr_ref, pos_ref, gates_ref, toks_ref, be_ref, valid_ref,
                 oh_ref):
    x = x_ref[...]
    logits = jnp.dot(x, wr_ref[...], preferred_element_type=jnp.float32)
    iota = jax.lax.broadcasted_iota(jnp.int32, logits.shape, 1)
    m1 = jnp.max(logits, axis=-1, keepdims=True)
    i1 = jnp.argmax(logits, axis=-1)[:, None]
    masked = jnp.where(iota == i1, -jnp.inf, logits)
    m2 = jnp.max(masked, axis=-1, keepdims=True)
    i2 = jnp.argmax(masked, axis=-1)[:, None]
    z = jnp.exp(m2 - m1)
    g1 = 1.0 / (1.0 + z)
    g2 = z / (1.0 + z)
    oh1 = (iota == i1).astype(jnp.float32)
    oh2 = (iota == i2).astype(jnp.float32)
    oh_ref[0:_T, :] = oh1
    oh_ref[_T:_A, :] = oh2
    gates_ref[0:_T, :] = g1
    gates_ref[_T:_A, :] = g2
    toks_ref[...] = jax.lax.broadcasted_iota(jnp.int32, (_A, 1), 0) % _T

    n_e = jnp.sum(oh1, axis=0, keepdims=True) + jnp.sum(oh2, axis=0, keepdims=True)
    pc = jnp.ceil(n_e * (1.0 / _B)) * float(_B)
    eiota = jax.lax.broadcasted_iota(jnp.int32, (_E, _E), 0)
    ejota = jax.lax.broadcasted_iota(jnp.int32, (_E, _E), 1)
    strict_upper = (eiota < ejota).astype(jnp.float32)
    ps = jnp.dot(pc, strict_upper, preferred_element_type=jnp.float32)

    ri = jax.lax.broadcasted_iota(jnp.int32, (_B, _B), 0)
    ci = jax.lax.broadcasted_iota(jnp.int32, (_B, _B), 1)
    tri_s = (ci < ri).astype(jnp.float32)

    def body(c, run):
        ohc = oh_ref[pl.ds(c * _B, _B), :]
        local = jnp.dot(tri_s, ohc, preferred_element_type=jnp.float32)
        slot = jnp.sum((ps + run + local) * ohc, axis=1, keepdims=True)
        pos_ref[pl.ds(c * _B, _B), :] = slot.astype(jnp.int32)
        return run + jnp.sum(ohc, axis=0, keepdims=True)

    jax.lax.fori_loop(0, _A // _B, body, jnp.zeros((1, _E), jnp.float32))

    bs = jax.lax.broadcasted_iota(jnp.int32, (128, 1), 0).astype(jnp.float32) * float(_B)
    cnt = jnp.dot((bs >= ps).astype(jnp.float32), jnp.ones((_E, 1), jnp.float32),
                  preferred_element_type=jnp.float32)
    be_ref[...] = (cnt - 1.0).astype(jnp.int32)
    total_pad = jnp.sum(pc)
    valid_ref[...] = (bs < total_pad).astype(jnp.int32)


@functools.partial(
    pl.kernel,
    mesh=_sc_mesh,
    out_type=jax.ShapeDtypeStruct((_NPAD, _D // 2), jnp.int32),
    scratch_types=[
        pltpu.VMEM((_GCH,), jnp.int32),
        pltpu.VMEM((_GCH,), jnp.int32),
        pltpu.VMEM((_GCH, _D // 2), jnp.int32),
        pltpu.SemaphoreType.DMA,
    ],
)
def _sc_dispatch(x_hbm, toks_hbm, pos_hbm, xs_hbm, idx_v, dst_v, rows_v, sem):
    wid = lax.axis_index("s") * _NC + lax.axis_index("c")
    for c in range(_APW // _GCH):
        base = wid * _APW + c * _GCH
        pltpu.sync_copy(toks_hbm.at[pl.ds(base, _GCH)], idx_v)
        pltpu.sync_copy(pos_hbm.at[pl.ds(base, _GCH)], dst_v)
        pltpu.async_copy(x_hbm.at[idx_v], rows_v, sem).wait()
        pltpu.async_copy(rows_v, xs_hbm.at[dst_v], sem).wait()


def _expert_body(sp_ref, xs_ref, wg_ref, wu_ref, wd_ref, ys_ref):
    b = pl.program_id(0)

    @pl.when(sp_ref[1, b] == 1)
    def _compute():
        x = xs_ref[...]
        acc = None
        for fc in range(_F // _FC):
            wg = wg_ref[0, :, fc * _FC:(fc + 1) * _FC]
            wu = wu_ref[0, :, fc * _FC:(fc + 1) * _FC]
            wd = wd_ref[0, fc * _FC:(fc + 1) * _FC, :]
            g = jnp.dot(x, wg, preferred_element_type=jnp.float32)
            u = jnp.dot(x, wu, preferred_element_type=jnp.float32)
            h = (g * jax.lax.logistic(g)) * u
            y = jnp.dot(h.astype(jnp.bfloat16), wd,
                        preferred_element_type=jnp.float32)
            acc = y if acc is None else acc + y
        ys_ref[...] = acc


@functools.partial(
    pl.kernel,
    mesh=_sc_mesh,
    out_type=jax.ShapeDtypeStruct((_T, _D), jnp.float32),
    scratch_types=[
        pltpu.VMEM((_CCH,), jnp.int32),
        pltpu.VMEM((_CCH,), jnp.int32),
        pltpu.VMEM((_CCH + _L,), jnp.float32),
        pltpu.VMEM((_CCH + _L,), jnp.float32),
        pltpu.VMEM((_CCH, _D), jnp.float32),
        pltpu.VMEM((_CCH, _D), jnp.float32),
        pltpu.SemaphoreType.DMA,
    ],
)
def _sc_combine(ys_hbm, pos_hbm, gates_hbm, out_hbm,
                p0_v, p1_v, g0_v, g1_v, buf0, buf1, sem):
    wid = lax.axis_index("s") * _NC + lax.axis_index("c")
    for c in range(_TPW // _CCH):
        tbase = wid * _TPW + c * _CCH
        pltpu.sync_copy(pos_hbm.at[pl.ds(tbase, _CCH)], p0_v)
        pltpu.sync_copy(pos_hbm.at[pl.ds(_T + tbase, _CCH)], p1_v)
        pltpu.sync_copy(gates_hbm.at[pl.ds(tbase, _CCH)], g0_v.at[pl.ds(0, _CCH)])
        pltpu.sync_copy(gates_hbm.at[pl.ds(_T + tbase, _CCH)], g1_v.at[pl.ds(0, _CCH)])
        pltpu.async_copy(ys_hbm.at[p0_v], buf0, sem).wait()
        pltpu.async_copy(ys_hbm.at[p1_v], buf1, sem).wait()

        def row_body(r, carry):
            ga = g0_v[pl.ds(r, _L)][0]
            gb = g1_v[pl.ds(r, _L)][0]

            def col_body(j, carry2):
                a = buf0[r, pl.ds(j * _L, _L)]
                b = buf1[r, pl.ds(j * _L, _L)]
                buf0[r, pl.ds(j * _L, _L)] = ga * a + gb * b
                return carry2

            return lax.fori_loop(0, _D // _L, col_body, carry)

        lax.fori_loop(0, _CCH, row_body, 0)
        pltpu.sync_copy(buf0, out_hbm.at[pl.ds(tbase, _CCH)])


def kernel(x_TD, w_router_DE, w_gate_EDF, w_up_EDF, w_down_EFD):
    pos, gates, toks, be128, valid128 = pl.pallas_call(
        _router_body,
        out_shape=(
            jax.ShapeDtypeStruct((_A, 1), jnp.int32),
            jax.ShapeDtypeStruct((_A, 1), jnp.float32),
            jax.ShapeDtypeStruct((_A, 1), jnp.int32),
            jax.ShapeDtypeStruct((128, 1), jnp.int32),
            jax.ShapeDtypeStruct((128, 1), jnp.int32),
        ),
        scratch_shapes=[pltpu.VMEM((_A, _E), jnp.float32)],
    )(x_TD, w_router_DE)

    sp = jnp.concatenate([be128[:_NB, 0][None, :], valid128[:_NB, 0][None, :]],
                         axis=0)
    posf = pos[:, 0]

    x_i32 = lax.bitcast_convert_type(
        x_TD.astype(jnp.bfloat16).reshape(_T, _D // 2, 2), jnp.int32)
    xs_i32 = _sc_dispatch(x_i32, toks[:, 0], posf)
    xs = lax.bitcast_convert_type(xs_i32, jnp.bfloat16).reshape(_NPAD, _D)

    wg_bf = w_gate_EDF.astype(jnp.bfloat16)
    wu_bf = w_up_EDF.astype(jnp.bfloat16)
    wd_bf = w_down_EFD.astype(jnp.bfloat16)

    ys = pl.pallas_call(
        _expert_body,
        grid_spec=pltpu.PrefetchScalarGridSpec(
            num_scalar_prefetch=1,
            grid=(_NB,),
            in_specs=[
                pl.BlockSpec((_B, _D), lambda b, sp: (b, 0)),
                pl.BlockSpec((1, _D, _F), lambda b, sp: (sp[0, b], 0, 0)),
                pl.BlockSpec((1, _D, _F), lambda b, sp: (sp[0, b], 0, 0)),
                pl.BlockSpec((1, _F, _D), lambda b, sp: (sp[0, b], 0, 0)),
            ],
            out_specs=pl.BlockSpec((_B, _D), lambda b, sp: (b, 0)),
        ),
        out_shape=jax.ShapeDtypeStruct((_NPAD, _D), jnp.float32),
    )(sp, xs, wg_bf, wu_bf, wd_bf)

    out = _sc_combine(ys, posf, gates[:, 0])
    return out

# --- scband reference (transcript-rebuilt; emitter-appended) ---
"""Pipeline reference for scband-jax-mo-e-26431228740246 (READ-ONLY COPY).

The authoritative reference and input builder live on the scoring server;
editing this copy changes nothing except your own understanding.
"""

import jax, jax.numpy as jnp
import numpy as np

T = 2048   # tokens (batch=1 * seq_len=2048)
D = 1024   # hidden_size
F = 2048   # intermediate_size_moe
E = 8      # num_local_experts
K = 2      # num_experts_per_tok


def setup_inputs(seed: int = 0) -> dict:
    key = jax.random.key(seed)
    k0, k1, k2, k3, k4 = jax.random.split(key, 5)
    x_TD = jax.random.normal(k0, (T, D), dtype=jnp.float32)
    w_router_DE = jax.random.normal(k1, (D, E), dtype=jnp.float32) * (1.0 / np.sqrt(D))
    w_gate_EDF = jax.random.normal(k2, (E, D, F), dtype=jnp.float32) * (1.0 / np.sqrt(D))
    w_up_EDF = jax.random.normal(k3, (E, D, F), dtype=jnp.float32) * (1.0 / np.sqrt(D))
    w_down_EFD = jax.random.normal(k4, (E, F, D), dtype=jnp.float32) * (1.0 / np.sqrt(F))
    return {
        "x_TD": x_TD,
        "w_router_DE": w_router_DE,
        "w_gate_EDF": w_gate_EDF,
        "w_up_EDF": w_up_EDF,
        "w_down_EFD": w_down_EFD,
    }


def reference(x_TD, w_router_DE, w_gate_EDF, w_up_EDF, w_down_EFD):
    t = x_TD.shape[0]
    e = w_gate_EDF.shape[0]
    # Router: logits over experts, top-k selection, renormalized softmax gates
    router_logits_TE = jnp.dot(x_TD, w_router_DE)
    top_vals_TK, top_idx_TK = jax.lax.top_k(router_logits_TE, K)
    gates_TK = jax.nn.softmax(top_vals_TK, axis=-1)  # renormalize=True
    # Scatter top-k gates into dense [T, E] combine weights (DENSE_MAT backend)
    weights_TE = jnp.zeros((t, e), dtype=x_TD.dtype)
    weights_TE = weights_TE.at[jnp.arange(t)[:, None], top_idx_TK].set(gates_TK)
    # Expert MLPs computed densely over all experts (gating/up/down, SwiGLU)
    g_TEF = jnp.einsum('td,edf->tef', x_TD, w_gate_EDF)
    u_TEF = jnp.einsum('td,edf->tef', x_TD, w_up_EDF)
    h_TEF = jax.nn.silu(g_TEF) * u_TEF
    o_TED = jnp.einsum('tef,efd->ted', h_TEF, w_down_EFD)
    # Combine experts weighted by router gates (apply_expert_weight_before_computation=False)
    out_TD = jnp.einsum('te,ted->td', weights_TE, o_TED)
    return out_TD

if __name__ == "__main__":
    import jax
    _d = setup_inputs()
    print(jax.jit(kernel)(*tuple(_d.values())))

</pallas_src>

<mosaic_0001>
#map = affine_map<(d0, d1) -> (0, 0)>
#map1 = affine_map<(d0, d1) -> (0)>
module attributes {stable_mosaic.version = 14 : i64} {
  func.func @_sc_combine(%arg0: i32, %arg1: i32, %arg2: memref<7680x1024xf32, #tpu.memory_space<hbm>>, %arg3: memref<4096xi32, #tpu.memory_space<hbm>>, %arg4: memref<4096xf32, #tpu.memory_space<hbm>>, %arg5: memref<2048x1024xf32, #tpu.memory_space<hbm>>, %arg6: memref<32xi32, #tpu.memory_space<vmem>>, %arg7: memref<32xi32, #tpu.memory_space<vmem>>, %arg8: memref<48xf32, #tpu.memory_space<vmem>>, %arg9: memref<48xf32, #tpu.memory_space<vmem>>, %arg10: memref<32x1024xf32, #tpu.memory_space<vmem>>, %arg11: memref<32x1024xf32, #tpu.memory_space<vmem>>, %arg12: memref<!tpu.dma_semaphore, #tpu.memory_space<semaphore_mem>>) attributes {dimension_semantics = [#tpu.dimension_semantics<core_parallel>, #tpu.dimension_semantics<subcore_parallel>], iteration_bounds = array<i64: 2, 16>, scalar_prefetch = 0 : i64, scratch_operands = 7 : i64, tpu.core_type = #tpu.core_type<sc_vector_subcore>, window_params = [{transform_indices = #map}, {transform_indices = #map1}, {transform_indices = #map1}, {transform_indices = #map}]} {
    %mul3A = arith.constant 2 : i32
    %mul3A_0 = arith.muli %arg1, %mul3A : i32
    %add3A = arith.addi %mul3A_0, %arg0 : i32
    %mul3A_1 = arith.constant 64 : i32
    %mul3A_2 = arith.muli %add3A, %mul3A_1 : i32
    %add3A_3 = arith.constant 0 : i32
    %add3A_4 = arith.addi %mul3A_2, %add3A_3 : i32
    "tpu.region"() ({
      %run_scoped3A = tpu.sem_alloc : memref<!tpu.dma_semaphore, #tpu.memory_space<semaphore_mem>>
      %dma_start3A_50 = tpu.memref_slice %arg3[%add3A_4] : memref<4096xi32, #tpu.memory_space<hbm>> -> memref<32xi32, #tpu.memory_space<hbm>>
      %dma_start3A_51 = tpu.memref_slice %arg3[%add3A_4] : memref<4096xi32, #tpu.memory_space<hbm>> -> memref<32xi32, #tpu.memory_space<hbm>>
      tpu.enqueue_dma source(%dma_start3A_51 : memref<32xi32, #tpu.memory_space<hbm>>) target(%arg6 : memref<32xi32, #tpu.memory_space<vmem>>) target_semaphore(%run_scoped3A : memref<!tpu.dma_semaphore, #tpu.memory_space<semaphore_mem>>)
      %dma_wait3A_52 = tpu.memref_slice %arg3[%add3A_4] : memref<4096xi32, #tpu.memory_space<hbm>> -> memref<32xi32, #tpu.memory_space<hbm>>
      %dma_wait3A_53 = tpu.memref_slice %arg3[%add3A_4] : memref<4096xi32, #tpu.memory_space<hbm>> -> memref<32xi32, #tpu.memory_space<hbm>>
      tpu.wait_dma2 semaphore(%run_scoped3A : memref<!tpu.dma_semaphore, #tpu.memory_space<semaphore_mem>>) src(%dma_wait3A_53 : memref<32xi32, #tpu.memory_space<hbm>>) dst(%arg6 : memref<32xi32, #tpu.memory_space<vmem>>)
      tpu.yield
    }) : () -> ()
    %add3A_5 = arith.constant 2048 : i32
    %add3A_6 = arith.addi %add3A_5, %add3A_4 : i32
    "tpu.region"() ({
      %run_scoped3A = tpu.sem_alloc : memref<!tpu.dma_semaphore, #tpu.memory_space<semaphore_mem>>
      %dma_start3A_50 = tpu.memref_slice %arg3[%add3A_6] : memref<4096xi32, #tpu.memory_space<hbm>> -> memref<32xi32, #tpu.memory_space<hbm>>
      %dma_start3A_51 = tpu.memref_slice %arg3[%add3A_6] : memref<4096xi32, #tpu.memory_space<hbm>> -> memref<32xi32, #tpu.memory_space<hbm>>
      tpu.enqueue_dma source(%dma_start3A_51 : memref<32xi32, #tpu.memory_space<hbm>>) target(%arg7 : memref<32xi32, #tpu.memory_space<vmem>>) target_semaphore(%run_scoped3A : memref<!tpu.dma_semaphore, #tpu.memory_space<semaphore_mem>>)
      %dma_wait3A_52 = tpu.memref_slice %arg3[%add3A_6] : memref<4096xi32, #tpu.memory_space<hbm>> -> memref<32xi32, #tpu.memory_space<hbm>>
      %dma_wait3A_53 = tpu.memref_slice %arg3[%add3A_6] : memref<4096xi32, #tpu.memory_space<hbm>> -> memref<32xi32, #tpu.memory_space<hbm>>
      tpu.wait_dma2 semaphore(%run_scoped3A : memref<!tpu.dma_semaphore, #tpu.memory_space<semaphore_mem>>) src(%dma_wait3A_53 : memref<32xi32, #tpu.memory_space<hbm>>) dst(%arg7 : memref<32xi32, #tpu.memory_space<vmem>>)
      tpu.yield
    }) : () -> ()
    "tpu.region"() ({
      %run_scoped3A = tpu.sem_alloc : memref<!tpu.dma_semaphore, #tpu.memory_space<semaphore_mem>>
      %dma_start3A_50 = arith.constant 0 : i32
      %dma_start3A_51 = tpu.memref_slice %arg8[%dma_start3A_50] : memref<48xf32, #tpu.memory_space<vmem>> -> memref<32xf32, #tpu.memory_space<vmem>>
      %dma_start3A_52 = tpu.memref_slice %arg4[%add3A_4] : memref<4096xf32, #tpu.memory_space<hbm>> -> memref<32xf32, #tpu.memory_space<hbm>>
      %dma_start3A_53 = arith.constant 0 : i32
      %dma_start3A_54 = tpu.memref_slice %arg8[%dma_start3A_53] : memref<48xf32, #tpu.memory_space<vmem>> -> memref<32xf32, #tpu.memory_space<vmem>>
      %dma_start3A_55 = tpu.memref_slice %arg4[%add3A_4] : memref<4096xf32, #tpu.memory_space<hbm>> -> memref<32xf32, #tpu.memory_space<hbm>>
      tpu.enqueue_dma source(%dma_start3A_55 : memref<32xf32, #tpu.memory_space<hbm>>) target(%dma_start3A_54 : memref<32xf32, #tpu.memory_space<vmem>>) target_semaphore(%run_scoped3A : memref<!tpu.dma_semaphore, #tpu.memory_space<semaphore_mem>>)
      %dma_wait3A_56 = arith.constant 0 : i32
      %dma_wait3A_57 = tpu.memref_slice %arg8[%dma_wait3A_56] : memref<48xf32, #tpu.memory_space<vmem>> -> memref<32xf32, #tpu.memory_space<vmem>>
      %dma_wait3A_58 = tpu.memref_slice %arg4[%add3A_4] : memref<4096xf32, #tpu.memory_space<hbm>> -> memref<32xf32, #tpu.memory_space<hbm>>
      %dma_wait3A_59 = arith.constant 0 : i32
      %dma_wait3A_60 = tpu.memref_slice %arg8[%dma_wait3A_59] : memref<48xf32, #tpu.memory_space<vmem>> -> memref<32xf32, #tpu.memory_space<vmem>>
      %dma_wait3A_61 = tpu.memref_slice %arg4[%add3A_4] : memref<4096xf32, #tpu.memory_space<hbm>> -> memref<32xf32, #tpu.memory_space<hbm>>
      tpu.wait_dma2 semaphore(%run_scoped3A : memref<!tpu.dma_semaphore, #tpu.memory_space<semaphore_mem>>) src(%dma_wait3A_61 : memref<32xf32, #tpu.memory_space<hbm>>) dst(%dma_wait3A_60 : memref<32xf32, #tpu.memory_space<vmem>>)
      tpu.yield
    }) : () -> ()
    %add3A_7 = arith.constant 2048 : i32
    %add3A_8 = arith.addi %add3A_7, %add3A_4 : i32
    "tpu.region"() ({
      %run_scoped3A = tpu.sem_alloc : memref<!tpu.dma_semaphore, #tpu.memory_space<semaphore_mem>>
      %dma_start3A_50 = arith.constant 0 : i32
      %dma_start3A_51 = tpu.memref_slice %arg9[%dma_start3A_50] : memref<48xf32, #tpu.memory_space<vmem>> -> memref<32xf32, #tpu.memory_space<vmem>>
      %dma_start3A_52 = tpu.memref_slice %arg4[%add3A_8] : memref<4096xf32, #tpu.memory_space<hbm>> -> memref<32xf32, #tpu.memory_space<hbm>>
      %dma_start3A_53 = arith.constant 0 : i32
      %dma_start3A_54 = tpu.memref_slice %arg9[%dma_start3A_53] : memref<48xf32, #tpu.memory_space<vmem>> -> memref<32xf32, #tpu.memory_space<vmem>>
      %dma_start3A_55 = tpu.memref_slice %arg4[%add3A_8] : memref<4096xf32, #tpu.memory_space<hbm>> -> memref<32xf32, #tpu.memory_space<hbm>>
      tpu.enqueue_dma source(%dma_start3A_55 : memref<32xf32, #tpu.memory_space<hbm>>) target(%dma_start3A_54 : memref<32xf32, #tpu.memory_space<vmem>>) target_semaphore(%run_scoped3A : memref<!tpu.dma_semaphore, #tpu.memory_space<semaphore_mem>>)
      %dma_wait3A_56 = arith.constant 0 : i32
      %dma_wait3A_57 = tpu.memref_slice %arg9[%dma_wait3A_56] : memref<48xf32, #tpu.memory_space<vmem>> -> memref<32xf32, #tpu.memory_space<vmem>>
      %dma_wait3A_58 = tpu.memref_slice %arg4[%add3A_8] : memref<4096xf32, #tpu.memory_space<hbm>> -> memref<32xf32, #tpu.memory_space<hbm>>
      %dma_wait3A_59 = arith.constant 0 : i32
      %dma_wait3A_60 = tpu.memref_slice %arg9[%dma_wait3A_59] : memref<48xf32, #tpu.memory_space<vmem>> -> memref<32xf32, #tpu.memory_space<vmem>>
      %dma_wait3A_61 = tpu.memref_slice %arg4[%add3A_8] : memref<4096xf32, #tpu.memory_space<hbm>> -> memref<32xf32, #tpu.memory_space<hbm>>
      tpu.wait_dma2 semaphore(%run_scoped3A : memref<!tpu.dma_semaphore, #tpu.memory_space<semaphore_mem>>) src(%dma_wait3A_61 : memref<32xf32, #tpu.memory_space<hbm>>) dst(%dma_wait3A_60 : memref<32xf32, #tpu.memory_space<vmem>>)
      tpu.yield
    }) : () -> ()
    %dma_start3A = arith.constant 0 : i32
    %dma_start3A_9 = arith.constant 0 : i32
    %dma_start3A_10 = tpu.memref_slice %arg2[%dma_start3A, %dma_start3A_9] : memref<7680x1024xf32, #tpu.memory_space<hbm>> -> memref<7680x1024xf32, #tpu.memory_space<hbm>>
    tpu.enqueue_indirect_dma source(%dma_start3A_10 : memref<7680x1024xf32, #tpu.memory_space<hbm>>) target(%arg10 : memref<32x1024xf32, #tpu.memory_space<vmem>>) offsets(%arg6 : memref<32xi32, #tpu.memory_space<vmem>>) semaphore(%arg12 : memref<!tpu.dma_semaphore, #tpu.memory_space<semaphore_mem>>)
    %dma_wait3A = arith.constant 0 : i32
    %dma_wait3A_11 = arith.constant 0 : i32
    %dma_wait3A_12 = tpu.memref_slice %arg2[%dma_wait3A, %dma_wait3A_11] : memref<7680x1024xf32, #tpu.memory_space<hbm>> -> memref<7680x1024xf32, #tpu.memory_space<hbm>>
    tpu.wait_indirect_dma semaphore(%arg12 : memref<!tpu.dma_semaphore, #tpu.memory_space<semaphore_mem>>) src(%dma_wait3A_12 : memref<7680x1024xf32, #tpu.memory_space<hbm>>) dst(%arg10 : memref<32x1024xf32, #tpu.memory_space<vmem>>)
    %dma_start3A_13 = arith.constant 0 : i32
    %dma_start3A_14 = arith.constant 0 : i32
    %dma_start3A_15 = tpu.memref_slice %arg2[%dma_start3A_13, %dma_start3A_14] : memref<7680x1024xf32, #tpu.memory_space<hbm>> -> memref<7680x1024xf32, #tpu.memory_space<hbm>>
    tpu.enqueue_indirect_dma source(%dma_start3A_15 : memref<7680x1024xf32, #tpu.memory_space<hbm>>) target(%arg11 : memref<32x1024xf32, #tpu.memory_space<vmem>>) offsets(%arg7 : memref<32xi32, #tpu.memory_space<vmem>>) semaphore(%arg12 : memref<!tpu.dma_semaphore, #tpu.memory_space<semaphore_mem>>)
    %dma_wait3A_16 = arith.constant 0 : i32
    %dma_wait3A_17 = arith.constant 0 : i32
    %dma_wait3A_18 = tpu.memref_slice %arg2[%dma_wait3A_16, %dma_wait3A_17] : memref<7680x1024xf32, #tpu.memory_space<hbm>> -> memref<7680x1024xf32, #tpu.memory_space<hbm>>
    tpu.wait_indirect_dma semaphore(%arg12 : memref<!tpu.dma_semaphore, #tpu.memory_space<semaphore_mem>>) src(%dma_wait3A_18 : memref<7680x1024xf32, #tpu.memory_space<hbm>>) dst(%arg11 : memref<32x1024xf32, #tpu.memory_space<vmem>>)
    %scan3A = arith.constant 0 : i32
    %scan3A_19 = arith.constant 0 : i32
    %scan3A_20 = arith.constant 32 : i32
    %scan3A_21 = arith.addi %scan3A_19, %scan3A_20 : i32
    %scan3A_22 = arith.constant 1 : i32
    scf.for %scan3A_50 = %scan3A_19 to %scan3A_21 step %scan3A_22  : i32 {
      %get3A = arith.index_cast %scan3A_50 : i32 to index
      %get3A_51 = tpu.vector_load %arg8[%get3A] {strides = array<i32>} : memref<48xf32, #tpu.memory_space<vmem>>, vector<16xf32>,
      %get3A_52 = vector.shape_cast %get3A_51 : vector<16xf32> to vector<16xf32>
      %slice3A = vector.extract_strided_slice %get3A_52 {offsets = [0], sizes = [1], strides = [1]} : vector<16xf32> to vector<1xf32>
      %squeeze3A = vector.extract %slice3A[0] : f32 from vector<1xf32>
      %get3A_53 = arith.index_cast %scan3A_50 : i32 to index
      %get3A_54 = tpu.vector_load %arg9[%get3A_53] {strides = array<i32>} : memref<48xf32, #tpu.memory_space<vmem>>, vector<16xf32>,
      %get3A_55 = vector.shape_cast %get3A_54 : vector<16xf32> to vector<16xf32>
      %slice3A_56 = vector.extract_strided_slice %get3A_55 {offsets = [0], sizes = [1], strides = [1]} : vector<16xf32> to vector<1xf32>
      %squeeze3A_57 = vector.extract %slice3A_56[0] : f32 from vector<1xf32>
      %scan3A_58 = arith.constant 0 : i32
      %scan3A_59 = arith.constant 64 : i32
      %scan3A_60 = arith.addi %scan3A_58, %scan3A_59 : i32
      %scan3A_61 = arith.constant 1 : i32
      scf.for %scan3A_63 = %scan3A_58 to %scan3A_60 step %scan3A_61  : i32 {
        %mul3A_64 = arith.constant 16 : i32
        %mul3A_65 = arith.muli %scan3A_63, %mul3A_64 : i32
        %get3A_66 = arith.index_cast %scan3A_50 : i32 to index
        %get3A_67 = arith.index_cast %mul3A_65 : i32 to index
        %get3A_68 = tpu.vector_load %arg10[%get3A_66, %get3A_67] {strides = array<i32>} : memref<32x1024xf32, #tpu.memory_space<vmem>>, vector<1x16xf32>,
        %get3A_69 = vector.shape_cast %get3A_68 : vector<1x16xf32> to vector<16xf32>
        %mul3A_70 = arith.constant 16 : i32
        %mul3A_71 = arith.muli %scan3A_63, %mul3A_70 : i32
        %get3A_72 = arith.index_cast %scan3A_50 : i32 to index
        %get3A_73 = arith.index_cast %mul3A_71 : i32 to index
        %get3A_74 = tpu.vector_load %arg11[%get3A_72, %get3A_73] {strides = array<i32>} : memref<32x1024xf32, #tpu.memory_space<vmem>>, vector<1x16xf32>,
        %get3A_75 = vector.shape_cast %get3A_74 : vector<1x16xf32> to vector<16xf32>
        %mul3A_76 = vector.broadcast %squeeze3A : f32 to vector<16xf32>
        %mul3A_77 = arith.mulf %mul3A_76, %get3A_69 : vector<16xf32>
        %mul3A_78 = vector.broadcast %squeeze3A_57 : f32 to vector<16xf32>
        %mul3A_79 = arith.mulf %mul3A_78, %get3A_75 : vector<16xf32>
        %add3A_80 = arith.addf %mul3A_77, %mul3A_79 : vector<16xf32>
        %mul3A_81 = arith.constant 16 : i32
        %mul3A_82 = arith.muli %scan3A_63, %mul3A_81 : i32
        %swap3A = arith.index_cast %scan3A_50 : i32 to index
        %swap3A_83 = arith.index_cast %mul3A_82 : i32 to index
        %swap3A_84 = tpu.vector_load %arg10[%swap3A, %swap3A_83] {strides = array<i32>} : memref<32x1024xf32, #tpu.memory_space<vmem>>, vector<1x16xf32>,
        %swap3A_85 = vector.shape_cast %swap3A_84 : vector<1x16xf32> to vector<16xf32>
        %swap3A_86 = vector.shape_cast %add3A_80 : vector<16xf32> to vector<1x16xf32>
        tpu.vector_store %arg10[%swap3A, %swap3A_83], %swap3A_86 {strides = array<i32>} : memref<32x1024xf32, #tpu.memory_space<vmem>>, vector<1x16xf32>,
      }
      %scan3A_62 = arith.constant 64 : i32
    }
    %scan3A_23 = arith.constant 32 : i32
    "tpu.region"() ({
      %run_scoped3A = tpu.sem_alloc : memref<!tpu.dma_semaphore, #tpu.memory_space<semaphore_mem>>
      %dma_start3A_50 = arith.constant 0 : i32
      %dma_start3A_51 = tpu.memref_slice %arg5[%add3A_4, %dma_start3A_50] : memref<2048x1024xf32, #tpu.memory_space<hbm>> -> memref<32x1024xf32, #tpu.memory_space<hbm>>
      %dma_start3A_52 = arith.constant 0 : i32
      %dma_start3A_53 = tpu.memref_slice %arg5[%add3A_4, %dma_start3A_52] : memref<2048x1024xf32, #tpu.memory_space<hbm>> -> memref<32x1024xf32, #tpu.memory_space<hbm>>
      tpu.enqueue_dma source(%arg10 : memref<32x1024xf32, #tpu.memory_space<vmem>>) target(%dma_start3A_53 : memref<32x1024xf32, #tpu.memory_space<hbm>>) target_semaphore(%run_scoped3A : memref<!tpu.dma_semaphore, #tpu.memory_space<semaphore_mem>>)
      %dma_wait3A_54 = arith.constant 0 : i32
      %dma_wait3A_55 = tpu.memref_slice %arg5[%add3A_4, %dma_wait3A_54] : memref<2048x1024xf32, #tpu.memory_space<hbm>> -> memref<32x1024xf32, #tpu.memory_space<hbm>>
      %dma_wait3A_56 = arith.constant 0 : i32
      %dma_wait3A_57 = tpu.memref_slice %arg5[%add3A_4, %dma_wait3A_56] : memref<2048x1024xf32, #tpu.memory_space<hbm>> -> memref<32x1024xf32, #tpu.memory_space<hbm>>
      tpu.wait_dma2 semaphore(%run_scoped3A : memref<!tpu.dma_semaphore, #tpu.memory_space<semaphore_mem>>) src(%arg10 : memref<32x1024xf32, #tpu.memory_space<vmem>>) dst(%dma_wait3A_57 : memref<32x1024xf32, #tpu.memory_space<hbm>>)
      tpu.yield
    }) : () -> ()
    %mul3A_24 = arith.constant 64 : i32
    %mul3A_25 = arith.muli %add3A, %mul3A_24 : i32
    %add3A_26 = arith.constant 32 : i32
    %add3A_27 = arith.addi %mul3A_25, %add3A_26 : i32
    "tpu.region"() ({
      %run_scoped3A = tpu.sem_alloc : memref<!tpu.dma_semaphore, #tpu.memory_space<semaphore_mem>>
      %dma_start3A_50 = tpu.memref_slice %arg3[%add3A_27] : memref<4096xi32, #tpu.memory_space<hbm>> -> memref<32xi32, #tpu.memory_space<hbm>>
      %dma_start3A_51 = tpu.memref_slice %arg3[%add3A_27] : memref<4096xi32, #tpu.memory_space<hbm>> -> memref<32xi32, #tpu.memory_space<hbm>>
      tpu.enqueue_dma source(%dma_start3A_51 : memref<32xi32, #tpu.memory_space<hbm>>) target(%arg6 : memref<32xi32, #tpu.memory_space<vmem>>) target_semaphore(%run_scoped3A : memref<!tpu.dma_semaphore, #tpu.memory_space<semaphore_mem>>)
      %dma_wait3A_52 = tpu.memref_slice %arg3[%add3A_27] : memref<4096xi32, #tpu.memory_space<hbm>> -> memref<32xi32, #tpu.memory_space<hbm>>
      %dma_wait3A_53 = tpu.memref_slice %arg3[%add3A_27] : memref<4096xi32, #tpu.memory_space<hbm>> -> memref<32xi32, #tpu.memory_space<hbm>>
      tpu.wait_dma2 semaphore(%run_scoped3A : memref<!tpu.dma_semaphore, #tpu.memory_space<semaphore_mem>>) src(%dma_wait3A_53 : memref<32xi32, #tpu.memory_space<hbm>>) dst(%arg6 : memref<32xi32, #tpu.memory_space<vmem>>)
      tpu.yield
    }) : () -> ()
    %add3A_28 = arith.constant 2048 : i32
    %add3A_29 = arith.addi %add3A_28, %add3A_27 : i32
    "tpu.region"() ({
      %run_scoped3A = tpu.sem_alloc : memref<!tpu.dma_semaphore, #tpu.memory_space<semaphore_mem>>
      %dma_start3A_50 = tpu.memref_slice %arg3[%add3A_29] : memref<4096xi32, #tpu.memory_space<hbm>> -> memref<32xi32, #tpu.memory_space<hbm>>
      %dma_start3A_51 = tpu.memref_slice %arg3[%add3A_29] : memref<4096xi32, #tpu.memory_space<hbm>> -> memref<32xi32, #tpu.memory_space<hbm>>
      tpu.enqueue_dma source(%dma_start3A_51 : memref<32xi32, #tpu.memory_space<hbm>>) target(%arg7 : memref<32xi32, #tpu.memory_space<vmem>>) target_semaphore(%run_scoped3A : memref<!tpu.dma_semaphore, #tpu.memory_space<semaphore_mem>>)
      %dma_wait3A_52 = tpu.memref_slice %arg3[%add3A_29] : memref<4096xi32, #tpu.memory_space<hbm>> -> memref<32xi32, #tpu.memory_space<hbm>>
      %dma_wait3A_53 = tpu.memref_slice %arg3[%add3A_29] : memref<4096xi32, #tpu.memory_space<hbm>> -> memref<32xi32, #tpu.memory_space<hbm>>
      tpu.wait_dma2 semaphore(%run_scoped3A : memref<!tpu.dma_semaphore, #tpu.memory_space<semaphore_mem>>) src(%dma_wait3A_53 : memref<32xi32, #tpu.memory_space<hbm>>) dst(%arg7 : memref<32xi32, #tpu.memory_space<vmem>>)
      tpu.yield
    }) : () -> ()
    "tpu.region"() ({
      %run_scoped3A = tpu.sem_alloc : memref<!tpu.dma_semaphore, #tpu.memory_space<semaphore_mem>>
      %dma_start3A_50 = arith.constant 0 : i32
      %dma_start3A_51 = tpu.memref_slice %arg8[%dma_start3A_50] : memref<48xf32, #tpu.memory_space<vmem>> -> memref<32xf32, #tpu.memory_space<vmem>>
      %dma_start3A_52 = tpu.memref_slice %arg4[%add3A_27] : memref<4096xf32, #tpu.memory_space<hbm>> -> memref<32xf32, #tpu.memory_space<hbm>>
      %dma_start3A_53 = arith.constant 0 : i32
      %dma_start3A_54 = tpu.memref_slice %arg8[%dma_start3A_53] : memref<48xf32, #tpu.memory_space<vmem>> -> memref<32xf32, #tpu.memory_space<vmem>>
      %dma_start3A_55 = tpu.memref_slice %arg4[%add3A_27] : memref<4096xf32, #tpu.memory_space<hbm>> -> memref<32xf32, #tpu.memory_space<hbm>>
      tpu.enqueue_dma source(%dma_start3A_55 : memref<32xf32, #tpu.memory_space<hbm>>) target(%dma_start3A_54 : memref<32xf32, #tpu.memory_space<vmem>>) target_semaphore(%run_scoped3A : memref<!tpu.dma_semaphore, #tpu.memory_space<semaphore_mem>>)
      %dma_wait3A_56 = arith.constant 0 : i32
      %dma_wait3A_57 = tpu.memref_slice %arg8[%dma_wait3A_56] : memref<48xf32, #tpu.memory_space<vmem>> -> memref<32xf32, #tpu.memory_space<vmem>>
      %dma_wait3A_58 = tpu.memref_slice %arg4[%add3A_27] : memref<4096xf32, #tpu.memory_space<hbm>> -> memref<32xf32, #tpu.memory_space<hbm>>
      %dma_wait3A_59 = arith.constant 0 : i32
      %dma_wait3A_60 = tpu.memref_slice %arg8[%dma_wait3A_59] : memref<48xf32, #tpu.memory_space<vmem>> -> memref<32xf32, #tpu.memory_space<vmem>>
      %dma_wait3A_61 = tpu.memref_slice %arg4[%add3A_27] : memref<4096xf32, #tpu.memory_space<hbm>> -> memref<32xf32, #tpu.memory_space<hbm>>
      tpu.wait_dma2 semaphore(%run_scoped3A : memref<!tpu.dma_semaphore, #tpu.memory_space<semaphore_mem>>) src(%dma_wait3A_61 : memref<32xf32, #tpu.memory_space<hbm>>) dst(%dma_wait3A_60 : memref<32xf32, #tpu.memory_space<vmem>>)
      tpu.yield
    }) : () -> ()
    %add3A_30 = arith.constant 2048 : i32
    %add3A_31 = arith.addi %add3A_30, %add3A_27 : i32
    "tpu.region"() ({
      %run_scoped3A = tpu.sem_alloc : memref<!tpu.dma_semaphore, #tpu.memory_space<semaphore_mem>>
      %dma_start3A_50 = arith.constant 0 : i32
      %dma_start3A_51 = tpu.memref_slice %arg9[%dma_start3A_50] : memref<48xf32, #tpu.memory_space<vmem>> -> memref<32xf32, #tpu.memory_space<vmem>>
      %dma_start3A_52 = tpu.memref_slice %arg4[%add3A_31] : memref<4096xf32, #tpu.memory_space<hbm>> -> memref<32xf32, #tpu.memory_space<hbm>>
      %dma_start3A_53 = arith.constant 0 : i32
      %dma_start3A_54 = tpu.memref_slice %arg9[%dma_start3A_53] : memref<48xf32, #tpu.memory_space<vmem>> -> memref<32xf32, #tpu.memory_space<vmem>>
      %dma_start3A_55 = tpu.memref_slice %arg4[%add3A_31] : memref<4096xf32, #tpu.memory_space<hbm>> -> memref<32xf32, #tpu.memory_space<hbm>>
      tpu.enqueue_dma source(%dma_start3A_55 : memref<32xf32, #tpu.memory_space<hbm>>) target(%dma_start3A_54 : memref<32xf32, #tpu.memory_space<vmem>>) target_semaphore(%run_scoped3A : memref<!tpu.dma_semaphore, #tpu.memory_space<semaphore_mem>>)
      %dma_wait3A_56 = arith.constant 0 : i32
      %dma_wait3A_57 = tpu.memref_slice %arg9[%dma_wait3A_56] : memref<48xf32, #tpu.memory_space<vmem>> -> memref<32xf32, #tpu.memory_space<vmem>>
      %dma_wait3A_58 = tpu.memref_slice %arg4[%add3A_31] : memref<4096xf32, #tpu.memory_space<hbm>> -> memref<32xf32, #tpu.memory_space<hbm>>
      %dma_wait3A_59 = arith.constant 0 : i32
      %dma_wait3A_60 = tpu.memref_slice %arg9[%dma_wait3A_59] : memref<48xf32, #tpu.memory_space<vmem>> -> memref<32xf32, #tpu.memory_space<vmem>>
      %dma_wait3A_61 = tpu.memref_slice %arg4[%add3A_31] : memref<4096xf32, #tpu.memory_space<hbm>> -> memref<32xf32, #tpu.memory_space<hbm>>
      tpu.wait_dma2 semaphore(%run_scoped3A : memref<!tpu.dma_semaphore, #tpu.memory_space<semaphore_mem>>) src(%dma_wait3A_61 : memref<32xf32, #tpu.memory_space<hbm>>) dst(%dma_wait3A_60 : memref<32xf32, #tpu.memory_space<vmem>>)
      tpu.yield
    }) : () -> ()
    %dma_start3A_32 = arith.constant 0 : i32
    %dma_start3A_33 = arith.constant 0 : i32
    %dma_start3A_34 = tpu.memref_slice %arg2[%dma_start3A_32, %dma_start3A_33] : memref<7680x1024xf32, #tpu.memory_space<hbm>> -> memref<7680x1024xf32, #tpu.memory_space<hbm>>
    tpu.enqueue_indirect_dma source(%dma_start3A_34 : memref<7680x1024xf32, #tpu.memory_space<hbm>>) target(%arg10 : memref<32x1024xf32, #tpu.memory_space<vmem>>) offsets(%arg6 : memref<32xi32, #tpu.memory_space<vmem>>) semaphore(%arg12 : memref<!tpu.dma_semaphore, #tpu.memory_space<semaphore_mem>>)
    %dma_wait3A_35 = arith.constant 0 : i32
    %dma_wait3A_36 = arith.constant 0 : i32
    %dma_wait3A_37 = tpu.memref_slice %arg2[%dma_wait3A_35, %dma_wait3A_36] : memref<7680x1024xf32, #tpu.memory_space<hbm>> -> memref<7680x1024xf32, #tpu.memory_space<hbm>>
    tpu.wait_indirect_dma semaphore(%arg12 : memref<!tpu.dma_semaphore, #tpu.memory_space<semaphore_mem>>) src(%dma_wait3A_37 : memref<7680x1024xf32, #tpu.memory_space<hbm>>) dst(%arg10 : memref<32x1024xf32, #tpu.memory_space<vmem>>)
    %dma_start3A_38 = arith.constant 0 : i32
    %dma_start3A_39 = arith.constant 0 : i32
    %dma_start3A_40 = tpu.memref_slice %arg2[%dma_start3A_38, %dma_start3A_39] : memref<7680x1024xf32, #tpu.memory_space<hbm>> -> memref<7680x1024xf32, #tpu.memory_space<hbm>>
    tpu.enqueue_indirect_dma source(%dma_start3A_40 : memref<7680x1024xf32, #tpu.memory_space<hbm>>) target(%arg11 : memref<32x1024xf32, #tpu.memory_space<vmem>>) offsets(%arg7 : memref<32xi32, #tpu.memory_space<vmem>>) semaphore(%arg12 : memref<!tpu.dma_semaphore, #tpu.memory_space<semaphore_mem>>)
    %dma_wait3A_41 = arith.constant 0 : i32
    %dma_wait3A_42 = arith.constant 0 : i32
    %dma_wait3A_43 = tpu.memref_slice %arg2[%dma_wait3A_41, %dma_wait3A_42] : memref<7680x1024xf32, #tpu.memory_space<hbm>> -> memref<7680x1024xf32, #tpu.memory_space<hbm>>
    tpu.wait_indirect_dma semaphore(%arg12 : memref<!tpu.dma_semaphore, #tpu.memory_space<semaphore_mem>>) src(%dma_wait3A_43 : memref<7680x1024xf32, #tpu.memory_space<hbm>>) dst(%arg11 : memref<32x1024xf32, #tpu.memory_space<vmem>>)
    %scan3A_44 = arith.constant 0 : i32
    %scan3A_45 = arith.constant 0 : i32
    %scan3A_46 = arith.constant 32 : i32
    %scan3A_47 = arith.addi %scan3A_45, %scan3A_46 : i32
    %scan3A_48 = arith.constant 1 : i32
    scf.for %scan3A_50 = %scan3A_45 to %scan3A_47 step %scan3A_48  : i32 {
      %get3A = arith.index_cast %scan3A_50 : i32 to index
      %get3A_51 = tpu.vector_load %arg8[%get3A] {strides = array<i32>} : memref<48xf32, #tpu.memory_space<vmem>>, vector<16xf32>,
      %get3A_52 = vector.shape_cast %get3A_51 : vector<16xf32> to vector<16xf32>
      %slice3A = vector.extract_strided_slice %get3A_52 {offsets = [0], sizes = [1], strides = [1]} : vector<16xf32> to vector<1xf32>
      %squeeze3A = vector.extract %slice3A[0] : f32 from vector<1xf32>
      %get3A_53 = arith.index_cast %scan3A_50 : i32 to index
      %get3A_54 = tpu.vector_load %arg9[%get3A_53] {strides = array<i32>} : memref<48xf32, #tpu.memory_space<vmem>>, vector<16xf32>,
      %get3A_55 = vector.shape_cast %get3A_54 : vector<16xf32> to vector<16xf32>
      %slice3A_56 = vector.extract_strided_slice %get3A_55 {offsets = [0], sizes = [1], strides = [1]} : vector<16xf32> to vector<1xf32>
      %squeeze3A_57 = vector.extract %slice3A_56[0] : f32 from vector<1xf32>
      %scan3A_58 = arith.constant 0 : i32
      %scan3A_59 = arith.constant 64 : i32
      %scan3A_60 = arith.addi %scan3A_58, %scan3A_59 : i32
      %scan3A_61 = arith.constant 1 : i32
      scf.for %scan3A_63 = %scan3A_58 to %scan3A_60 step %scan3A_61  : i32 {
        %mul3A_64 = arith.constant 16 : i32
        %mul3A_65 = arith.muli %scan3A_63, %mul3A_64 : i32
        %get3A_66 = arith.index_cast %scan3A_50 : i32 to index
        %get3A_67 = arith.index_cast %mul3A_65 : i32 to index
        %get3A_68 = tpu.vector_load %arg10[%get3A_66, %get3A_67] {strides = array<i32>} : memref<32x1024xf32, #tpu.memory_space<vmem>>, vector<1x16xf32>,
        %get3A_69 = vector.shape_cast %get3A_68 : vector<1x16xf32> to vector<16xf32>
        %mul3A_70 = arith.constant 16 : i32
        %mul3A_71 = arith.muli %scan3A_63, %mul3A_70 : i32
        %get3A_72 = arith.index_cast %scan3A_50 : i32 to index
        %get3A_73 = arith.index_cast %mul3A_71 : i32 to index
        %get3A_74 = tpu.vector_load %arg11[%get3A_72, %get3A_73] {strides = array<i32>} : memref<32x1024xf32, #tpu.memory_space<vmem>>, vector<1x16xf32>,
        %get3A_75 = vector.shape_cast %get3A_74 : vector<1x16xf32> to vector<16xf32>
        %mul3A_76 = vector.broadcast %squeeze3A : f32 to vector<16xf32>
        %mul3A_77 = arith.mulf %mul3A_76, %get3A_69 : vector<16xf32>
        %mul3A_78 = vector.broadcast %squeeze3A_57 : f32 to vector<16xf32>
        %mul3A_79 = arith.mulf %mul3A_78, %get3A_75 : vector<16xf32>
        %add3A_80 = arith.addf %mul3A_77, %mul3A_79 : vector<16xf32>
        %mul3A_81 = arith.constant 16 : i32
        %mul3A_82 = arith.muli %scan3A_63, %mul3A_81 : i32
        %swap3A = arith.index_cast %scan3A_50 : i32 to index
        %swap3A_83 = arith.index_cast %mul3A_82 : i32 to index
        %swap3A_84 = tpu.vector_load %arg10[%swap3A, %swap3A_83] {strides = array<i32>} : memref<32x1024xf32, #tpu.memory_space<vmem>>, vector<1x16xf32>,
        %swap3A_85 = vector.shape_cast %swap3A_84 : vector<1x16xf32> to vector<16xf32>
        %swap3A_86 = vector.shape_cast %add3A_80 : vector<16xf32> to vector<1x16xf32>
        tpu.vector_store %arg10[%swap3A, %swap3A_83], %swap3A_86 {strides = array<i32>} : memref<32x1024xf32, #tpu.memory_space<vmem>>, vector<1x16xf32>,
      }
      %scan3A_62 = arith.constant 64 : i32
    }
    %scan3A_49 = arith.constant 32 : i32
    "tpu.region"() ({
      %run_scoped3A = tpu.sem_alloc : memref<!tpu.dma_semaphore, #tpu.memory_space<semaphore_mem>>
      %dma_start3A_50 = arith.constant 0 : i32
      %dma_start3A_51 = tpu.memref_slice %arg5[%add3A_27, %dma_start3A_50] : memref<2048x1024xf32, #tpu.memory_space<hbm>> -> memref<32x1024xf32, #tpu.memory_space<hbm>>
      %dma_start3A_52 = arith.constant 0 : i32
      %dma_start3A_53 = tpu.memref_slice %arg5[%add3A_27, %dma_start3A_52] : memref<2048x1024xf32, #tpu.memory_space<hbm>> -> memref<32x1024xf32, #tpu.memory_space<hbm>>
      tpu.enqueue_dma source(%arg10 : memref<32x1024xf32, #tpu.memory_space<vmem>>) target(%dma_start3A_53 : memref<32x1024xf32, #tpu.memory_space<hbm>>) target_semaphore(%run_scoped3A : memref<!tpu.dma_semaphore, #tpu.memory_space<semaphore_mem>>)
      %dma_wait3A_54 = arith.constant 0 : i32
      %dma_wait3A_55 = tpu.memref_slice %arg5[%add3A_27, %dma_wait3A_54] : memref<2048x1024xf32, #tpu.memory_space<hbm>> -> memref<32x1024xf32, #tpu.memory_space<hbm>>
      %dma_wait3A_56 = arith.constant 0 : i32
      %dma_wait3A_57 = tpu.memref_slice %arg5[%add3A_27, %dma_wait3A_56] : memref<2048x1024xf32, #tpu.memory_space<hbm>> -> memref<32x1024xf32, #tpu.memory_space<hbm>>
      tpu.wait_dma2 semaphore(%run_scoped3A : memref<!tpu.dma_semaphore, #tpu.memory_space<semaphore_mem>>) src(%arg10 : memref<32x1024xf32, #tpu.memory_space<vmem>>) dst(%dma_wait3A_57 : memref<32x1024xf32, #tpu.memory_space<hbm>>)
      tpu.yield
    }) : () -> ()
    return
  }
}

#map = affine_map<(d0, d1) -> (0, 0)>
#map1 = affine_map<(d0, d1) -> (0)>
module attributes {stable_mosaic.version = 14 : i64} {
  func.func @_sc_dispatch(%arg0: i32, %arg1: i32, %arg2: memref<2048x512xi32, #tpu.memory_space<hbm>>, %arg3: memref<4096xi32, #tpu.memory_space<hbm>>, %arg4: memref<4096xi32, #tpu.memory_space<hbm>>, %arg5: memref<7680x512xi32, #tpu.memory_space<hbm>>, %arg6: memref<64xi32, #tpu.memory_space<vmem>>, %arg7: memref<64xi32, #tpu.memory_space<vmem>>, %arg8: memref<64x512xi32, #tpu.memory_space<vmem>>, %arg9: memref<!tpu.dma_semaphore, #tpu.memory_space<semaphore_mem>>) attributes {dimension_semantics = [#tpu.dimension_semantics<core_parallel>, #tpu.dimension_semantics<subcore_parallel>], iteration_bounds = array<i64: 2, 16>, scalar_prefetch = 0 : i64, scratch_operands = 4 : i64, tpu.core_type = #tpu.core_type<sc_vector_subcore>, window_params = [{transform_indices = #map}, {transform_indices = #map1}, {transform_indices = #map1}, {transform_indices = #map}]} {
    %mul3A = arith.constant 2 : i32
    %mul3A_0 = arith.muli %arg1, %mul3A : i32
    %add3A = arith.addi %mul3A_0, %arg0 : i32
    %mul3A_1 = arith.constant 128 : i32
    %mul3A_2 = arith.muli %add3A, %mul3A_1 : i32
    %add3A_3 = arith.constant 0 : i32
    %add3A_4 = arith.addi %mul3A_2, %add3A_3 : i32
    "tpu.region"() ({
      %run_scoped3A = tpu.sem_alloc : memref<!tpu.dma_semaphore, #tpu.memory_space<semaphore_mem>>
      %dma_start3A_31 = tpu.memref_slice %arg3[%add3A_4] : memref<4096xi32, #tpu.memory_space<hbm>> -> memref<64xi32, #tpu.memory_space<hbm>>
      %dma_start3A_32 = tpu.memref_slice %arg3[%add3A_4] : memref<4096xi32, #tpu.memory_space<hbm>> -> memref<64xi32, #tpu.memory_space<hbm>>
      tpu.enqueue_dma source(%dma_start3A_32 : memref<64xi32, #tpu.memory_space<hbm>>) target(%arg6 : memref<64xi32, #tpu.memory_space<vmem>>) target_semaphore(%run_scoped3A : memref<!tpu.dma_semaphore, #tpu.memory_space<semaphore_mem>>)
      %dma_wait3A_33 = tpu.memref_slice %arg3[%add3A_4] : memref<4096xi32, #tpu.memory_space<hbm>> -> memref<64xi32, #tpu.memory_space<hbm>>
      %dma_wait3A_34 = tpu.memref_slice %arg3[%add3A_4] : memref<4096xi32, #tpu.memory_space<hbm>> -> memref<64xi32, #tpu.memory_space<hbm>>
      tpu.wait_dma2 semaphore(%run_scoped3A : memref<!tpu.dma_semaphore, #tpu.memory_space<semaphore_mem>>) src(%dma_wait3A_34 : memref<64xi32, #tpu.memory_space<hbm>>) dst(%arg6 : memref<64xi32, #tpu.memory_space<vmem>>)
      tpu.yield
    }) : () -> ()
    "tpu.region"() ({
      %run_scoped3A = tpu.sem_alloc : memref<!tpu.dma_semaphore, #tpu.memory_space<semaphore_mem>>
      %dma_start3A_31 = tpu.memref_slice %arg4[%add3A_4] : memref<4096xi32, #tpu.memory_space<hbm>> -> memref<64xi32, #tpu.memory_space<hbm>>
      %dma_start3A_32 = tpu.memref_slice %arg4[%add3A_4] : memref<4096xi32, #tpu.memory_space<hbm>> -> memref<64xi32, #tpu.memory_space<hbm>>
      tpu.enqueue_dma source(%dma_start3A_32 : memref<64xi32, #tpu.memory_space<hbm>>) target(%arg7 : memref<64xi32, #tpu.memory_space<vmem>>) target_semaphore(%run_scoped3A : memref<!tpu.dma_semaphore, #tpu.memory_space<semaphore_mem>>)
      %dma_wait3A_33 = tpu.memref_slice %arg4[%add3A_4] : memref<4096xi32, #tpu.memory_space<hbm>> -> memref<64xi32, #tpu.memory_space<hbm>>
      %dma_wait3A_34 = tpu.memref_slice %arg4[%add3A_4] : memref<4096xi32, #tpu.memory_space<hbm>> -> memref<64xi32, #tpu.memory_space<hbm>>
      tpu.wait_dma2 semaphore(%run_scoped3A : memref<!tpu.dma_semaphore, #tpu.memory_space<semaphore_mem>>) src(%dma_wait3A_34 : memref<64xi32, #tpu.memory_space<hbm>>) dst(%arg7 : memref<64xi32, #tpu.memory_space<vmem>>)
      tpu.yield
    }) : () -> ()
    %dma_start3A = arith.constant 0 : i32
    %dma_start3A_5 = arith.constant 0 : i32
    %dma_start3A_6 = tpu.memref_slice %arg2[%dma_start3A, %dma_start3A_5] : memref<2048x512xi32, #tpu.memory_space<hbm>> -> memref<2048x512xi32, #tpu.memory_space<hbm>>
    tpu.enqueue_indirect_dma source(%dma_start3A_6 : memref<2048x512xi32, #tpu.memory_space<hbm>>) target(%arg8 : memref<64x512xi32, #tpu.memory_space<vmem>>) offsets(%arg6 : memref<64xi32, #tpu.memory_space<vmem>>) semaphore(%arg9 : memref<!tpu.dma_semaphore, #tpu.memory_space<semaphore_mem>>)
    %dma_wait3A = arith.constant 0 : i32
    %dma_wait3A_7 = arith.constant 0 : i32
    %dma_wait3A_8 = tpu.memref_slice %arg2[%dma_wait3A, %dma_wait3A_7] : memref<2048x512xi32, #tpu.memory_space<hbm>> -> memref<2048x512xi32, #tpu.memory_space<hbm>>
    tpu.wait_indirect_dma semaphore(%arg9 : memref<!tpu.dma_semaphore, #tpu.memory_space<semaphore_mem>>) src(%dma_wait3A_8 : memref<2048x512xi32, #tpu.memory_space<hbm>>) dst(%arg8 : memref<64x512xi32, #tpu.memory_space<vmem>>)
    %dma_start3A_9 = arith.constant 0 : i32
    %dma_start3A_10 = arith.constant 0 : i32
    %dma_start3A_11 = tpu.memref_slice %arg5[%dma_start3A_9, %dma_start3A_10] : memref<7680x512xi32, #tpu.memory_space<hbm>> -> memref<7680x512xi32, #tpu.memory_space<hbm>>
    tpu.enqueue_indirect_dma source(%arg8 : memref<64x512xi32, #tpu.memory_space<vmem>>) target(%dma_start3A_11 : memref<7680x512xi32, #tpu.memory_space<hbm>>) offsets(%arg7 : memref<64xi32, #tpu.memory_space<vmem>>) semaphore(%arg9 : memref<!tpu.dma_semaphore, #tpu.memory_space<semaphore_mem>>)
    %dma_wait3A_12 = arith.constant 0 : i32
    %dma_wait3A_13 = arith.constant 0 : i32
    %dma_wait3A_14 = tpu.memref_slice %arg5[%dma_wait3A_12, %dma_wait3A_13] : memref<7680x512xi32, #tpu.memory_space<hbm>> -> memref<7680x512xi32, #tpu.memory_space<hbm>>
    tpu.wait_indirect_dma semaphore(%arg9 : memref<!tpu.dma_semaphore, #tpu.memory_space<semaphore_mem>>) src(%arg8 : memref<64x512xi32, #tpu.memory_space<vmem>>) dst(%dma_wait3A_14 : memref<7680x512xi32, #tpu.memory_space<hbm>>)
    %mul3A_15 = arith.constant 128 : i32
    %mul3A_16 = arith.muli %add3A, %mul3A_15 : i32
    %add3A_17 = arith.constant 64 : i32
    %add3A_18 = arith.addi %mul3A_16, %add3A_17 : i32
    "tpu.region"() ({
      %run_scoped3A = tpu.sem_alloc : memref<!tpu.dma_semaphore, #tpu.memory_space<semaphore_mem>>
      %dma_start3A_31 = tpu.memref_slice %arg3[%add3A_18] : memref<4096xi32, #tpu.memory_space<hbm>> -> memref<64xi32, #tpu.memory_space<hbm>>
      %dma_start3A_32 = tpu.memref_slice %arg3[%add3A_18] : memref<4096xi32, #tpu.memory_space<hbm>> -> memref<64xi32, #tpu.memory_space<hbm>>
      tpu.enqueue_dma source(%dma_start3A_32 : memref<64xi32, #tpu.memory_space<hbm>>) target(%arg6 : memref<64xi32, #tpu.memory_space<vmem>>) target_semaphore(%run_scoped3A : memref<!tpu.dma_semaphore, #tpu.memory_space<semaphore_mem>>)
      %dma_wait3A_33 = tpu.memref_slice %arg3[%add3A_18] : memref<4096xi32, #tpu.memory_space<hbm>> -> memref<64xi32, #tpu.memory_space<hbm>>
      %dma_wait3A_34 = tpu.memref_slice %arg3[%add3A_18] : memref<4096xi32, #tpu.memory_space<hbm>> -> memref<64xi32, #tpu.memory_space<hbm>>
      tpu.wait_dma2 semaphore(%run_scoped3A : memref<!tpu.dma_semaphore, #tpu.memory_space<semaphore_mem>>) src(%dma_wait3A_34 : memref<64xi32, #tpu.memory_space<hbm>>) dst(%arg6 : memref<64xi32, #tpu.memory_space<vmem>>)
      tpu.yield
    }) : () -> ()
    "tpu.region"() ({
      %run_scoped3A = tpu.sem_alloc : memref<!tpu.dma_semaphore, #tpu.memory_space<semaphore_mem>>
      %dma_start3A_31 = tpu.memref_slice %arg4[%add3A_18] : memref<4096xi32, #tpu.memory_space<hbm>> -> memref<64xi32, #tpu.memory_space<hbm>>
      %dma_start3A_32 = tpu.memref_slice %arg4[%add3A_18] : memref<4096xi32, #tpu.memory_space<hbm>> -> memref<64xi32, #tpu.memory_space<hbm>>
      tpu.enqueue_dma source(%dma_start3A_32 : memref<64xi32, #tpu.memory_space<hbm>>) target(%arg7 : memref<64xi32, #tpu.memory_space<vmem>>) target_semaphore(%run_scoped3A : memref<!tpu.dma_semaphore, #tpu.memory_space<semaphore_mem>>)
      %dma_wait3A_33 = tpu.memref_slice %arg4[%add3A_18] : memref<4096xi32, #tpu.memory_space<hbm>> -> memref<64xi32, #tpu.memory_space<hbm>>
      %dma_wait3A_34 = tpu.memref_slice %arg4[%add3A_18] : memref<4096xi32, #tpu.memory_space<hbm>> -> memref<64xi32, #tpu.memory_space<hbm>>
      tpu.wait_dma2 semaphore(%run_scoped3A : memref<!tpu.dma_semaphore, #tpu.memory_space<semaphore_mem>>) src(%dma_wait3A_34 : memref<64xi32, #tpu.memory_space<hbm>>) dst(%arg7 : memref<64xi32, #tpu.memory_space<vmem>>)
      tpu.yield
    }) : () -> ()
    %dma_start3A_19 = arith.constant 0 : i32
    %dma_start3A_20 = arith.constant 0 : i32
    %dma_start3A_21 = tpu.memref_slice %arg2[%dma_start3A_19, %dma_start3A_20] : memref<2048x512xi32, #tpu.memory_space<hbm>> -> memref<2048x512xi32, #tpu.memory_space<hbm>>
    tpu.enqueue_indirect_dma source(%dma_start3A_21 : memref<2048x512xi32, #tpu.memory_space<hbm>>) target(%arg8 : memref<64x512xi32, #tpu.memory_space<vmem>>) offsets(%arg6 : memref<64xi32, #tpu.memory_space<vmem>>) semaphore(%arg9 : memref<!tpu.dma_semaphore, #tpu.memory_space<semaphore_mem>>)
    %dma_wait3A_22 = arith.constant 0 : i32
    %dma_wait3A_23 = arith.constant 0 : i32
    %dma_wait3A_24 = tpu.memref_slice %arg2[%dma_wait3A_22, %dma_wait3A_23] : memref<2048x512xi32, #tpu.memory_space<hbm>> -> memref<2048x512xi32, #tpu.memory_space<hbm>>
    tpu.wait_indirect_dma semaphore(%arg9 : memref<!tpu.dma_semaphore, #tpu.memory_space<semaphore_mem>>) src(%dma_wait3A_24 : memref<2048x512xi32, #tpu.memory_space<hbm>>) dst(%arg8 : memref<64x512xi32, #tpu.memory_space<vmem>>)
    %dma_start3A_25 = arith.constant 0 : i32
    %dma_start3A_26 = arith.constant 0 : i32
    %dma_start3A_27 = tpu.memref_slice %arg5[%dma_start3A_25, %dma_start3A_26] : memref<7680x512xi32, #tpu.memory_space<hbm>> -> memref<7680x512xi32, #tpu.memory_space<hbm>>
    tpu.enqueue_indirect_dma source(%arg8 : memref<64x512xi32, #tpu.memory_space<vmem>>) target(%dma_start3A_27 : memref<7680x512xi32, #tpu.memory_space<hbm>>) offsets(%arg7 : memref<64xi32, #tpu.memory_space<vmem>>) semaphore(%arg9 : memref<!tpu.dma_semaphore, #tpu.memory_space<semaphore_mem>>)
    %dma_wait3A_28 = arith.constant 0 : i32
    %dma_wait3A_29 = arith.constant 0 : i32
    %dma_wait3A_30 = tpu.memref_slice %arg5[%dma_wait3A_28, %dma_wait3A_29] : memref<7680x512xi32, #tpu.memory_space<hbm>> -> memref<7680x512xi32, #tpu.memory_space<hbm>>
    tpu.wait_indirect_dma semaphore(%arg9 : memref<!tpu.dma_semaphore, #tpu.memory_space<semaphore_mem>>) src(%arg8 : memref<64x512xi32, #tpu.memory_space<vmem>>) dst(%dma_wait3A_30 : memref<7680x512xi32, #tpu.memory_space<hbm>>)
    return
  }
}

module attributes {stable_mosaic.version = 14 : i64} {
  func.func @_router_body(%arg0: memref<2048x1024xf32, #tpu.memory_space<vmem>>, %arg1: memref<1024x8xf32, #tpu.memory_space<vmem>>, %arg2: memref<4096x1xi32, #tpu.memory_space<vmem>>, %arg3: memref<4096x1xf32, #tpu.memory_space<vmem>>, %arg4: memref<4096x1xi32, #tpu.memory_space<vmem>>, %arg5: memref<128x1xi32, #tpu.memory_space<vmem>>, %arg6: memref<128x1xi32, #tpu.memory_space<vmem>>, %arg7: memref<4096x8xf32, #tpu.memory_space<vmem>>) attributes {dimension_semantics = [], scalar_prefetch = 0 : i64, scratch_operands = 1 : i64, tpu.core_type = #tpu.core_type<tc>} {
    %get3A = arith.constant 0 : index
    %get3A_0 = arith.constant 0 : index
    %get3A_1 = vector.load %arg0[%get3A, %get3A_0] : memref<2048x1024xf32, #tpu.memory_space<vmem>>, vector<2048x1024xf32>
    %get3A_2 = arith.constant 0 : index
    %get3A_3 = arith.constant 0 : index
    %get3A_4 = vector.load %arg1[%get3A_2, %get3A_3] : memref<1024x8xf32, #tpu.memory_space<vmem>>, vector<1024x8xf32>
    %dot_general3A = arith.constant dense<0.000000e+00> : vector<2048x8xf32>
    %dot_general3A_5 = tpu.matmul %get3A_1, %get3A_4, %dot_general3A {dimension_numbers = #tpu.dot_dimension_numbers<[1], [0], [0], [1], [0, 0, 1, 1], [], []>, transpose_lhs_hint = false} : vector<2048x1024xf32>, vector<1024x8xf32>, vector<2048x8xf32> -> vector<2048x8xf32>
    %iota3A = tpu.iota {dimensions = array<i32: 1>} : vector<2048x8xi32>
    %reduce_max3A = arith.constant dense<0xFF800000> : vector<2048xf32>
    %reduce_max3A_6 = vector.multi_reduction <maximumf>, %dot_general3A_5, %reduce_max3A [1] : vector<2048x8xf32> to vector<2048xf32>
    %broadcast_in_dim3A = vector.shape_cast %reduce_max3A_6 : vector<2048xf32> to vector<2048x1xf32>
    %argmax3A = tpu.reduce_index %dot_general3A_5 {axis = 1 : i32, kind = #tpu.reduction_kind<arg_max>} : vector<2048x8xf32> -> vector<2048xi32>
    %broadcast_in_dim3A_7 = vector.shape_cast %argmax3A : vector<2048xi32> to vector<2048x1xi32>
    %eq3A = vector.broadcast %broadcast_in_dim3A_7 : vector<2048x1xi32> to vector<2048x8xi32>
    %eq3A_8 = arith.cmpi eq, %iota3A, %eq3A : vector<2048x8xi32>
    %jit3A = arith.constant 0xFF800000 : f32
    %broadcast_in_dim3A_9 = vector.broadcast %jit3A : f32 to vector<2048x8xf32>
    %select_n3A = arith.select %eq3A_8, %broadcast_in_dim3A_9, %dot_general3A_5 : vector<2048x8xi1>, vector<2048x8xf32>
    %reduce_max3A_10 = arith.constant dense<0xFF800000> : vector<2048xf32>
    %reduce_max3A_11 = vector.multi_reduction <maximumf>, %select_n3A, %reduce_max3A_10 [1] : vector<2048x8xf32> to vector<2048xf32>
    %broadcast_in_dim3A_12 = vector.shape_cast %reduce_max3A_11 : vector<2048xf32> to vector<2048x1xf32>
    %argmax3A_13 = tpu.reduce_index %select_n3A {axis = 1 : i32, kind = #tpu.reduction_kind<arg_max>} : vector<2048x8xf32> -> vector<2048xi32>
    %broadcast_in_dim3A_14 = vector.shape_cast %argmax3A_13 : vector<2048xi32> to vector<2048x1xi32>
    %sub3A = arith.subf %broadcast_in_dim3A_12, %broadcast_in_dim3A : vector<2048x1xf32>
    %exp3A = math.exp %sub3A : vector<2048x1xf32>
    %add3A = arith.constant 1.000000e+00 : f32
    %add3A_15 = vector.broadcast %add3A : f32 to vector<2048x1xf32>
    %add3A_16 = arith.addf %add3A_15, %exp3A : vector<2048x1xf32>
    %div3A = arith.constant 1.000000e+00 : f32
    %div3A_17 = vector.broadcast %div3A : f32 to vector<2048x1xf32>
    %div3A_18 = arith.divf %div3A_17, %add3A_16 : vector<2048x1xf32>
    %add3A_19 = arith.constant 1.000000e+00 : f32
    %add3A_20 = vector.broadcast %add3A_19 : f32 to vector<2048x1xf32>
    %add3A_21 = arith.addf %add3A_20, %exp3A : vector<2048x1xf32>
    %div3A_22 = arith.divf %exp3A, %add3A_21 : vector<2048x1xf32>
    %eq3A_23 = vector.broadcast %broadcast_in_dim3A_7 : vector<2048x1xi32> to vector<2048x8xi32>
    %eq3A_24 = arith.cmpi eq, %iota3A, %eq3A_23 : vector<2048x8xi32>
    %convert_element_type3A = arith.extui %eq3A_24 : vector<2048x8xi1> to vector<2048x8xi32>
    %convert_element_type3A_25 = arith.sitofp %convert_element_type3A : vector<2048x8xi32> to vector<2048x8xf32>
    %eq3A_26 = vector.broadcast %broadcast_in_dim3A_14 : vector<2048x1xi32> to vector<2048x8xi32>
    %eq3A_27 = arith.cmpi eq, %iota3A, %eq3A_26 : vector<2048x8xi32>
    %convert_element_type3A_28 = arith.extui %eq3A_27 : vector<2048x8xi1> to vector<2048x8xi32>
    %convert_element_type3A_29 = arith.sitofp %convert_element_type3A_28 : vector<2048x8xi32> to vector<2048x8xf32>
    %swap3A = arith.constant 0 : index
    %swap3A_30 = arith.constant 0 : index
    %swap3A_31 = vector.load %arg7[%swap3A, %swap3A_30] : memref<4096x8xf32, #tpu.memory_space<vmem>>, vector<2048x8xf32>
    tpu.vector_store %arg7[%swap3A, %swap3A_30], %convert_element_type3A_25 {strides = array<i32>} : memref<4096x8xf32, #tpu.memory_space<vmem>>, vector<2048x8xf32>,
    %swap3A_32 = arith.constant 2048 : index
    %swap3A_33 = arith.constant 0 : index
    %swap3A_34 = vector.load %arg7[%swap3A_32, %swap3A_33] : memref<4096x8xf32, #tpu.memory_space<vmem>>, vector<2048x8xf32>
    tpu.vector_store %arg7[%swap3A_32, %swap3A_33], %convert_element_type3A_29 {strides = array<i32>} : memref<4096x8xf32, #tpu.memory_space<vmem>>, vector<2048x8xf32>,
    %swap3A_35 = arith.constant 0 : index
    %swap3A_36 = arith.constant 0 : index
    %swap3A_37 = vector.load %arg3[%swap3A_35, %swap3A_36] : memref<4096x1xf32, #tpu.memory_space<vmem>>, vector<2048x1xf32>
    tpu.vector_store %arg3[%swap3A_35, %swap3A_36], %div3A_18 {strides = array<i32>} : memref<4096x1xf32, #tpu.memory_space<vmem>>, vector<2048x1xf32>,
    %swap3A_38 = arith.constant 2048 : index
    %swap3A_39 = arith.constant 0 : index
    %swap3A_40 = vector.load %arg3[%swap3A_38, %swap3A_39] : memref<4096x1xf32, #tpu.memory_space<vmem>>, vector<2048x1xf32>
    tpu.vector_store %arg3[%swap3A_38, %swap3A_39], %div3A_22 {strides = array<i32>} : memref<4096x1xf32, #tpu.memory_space<vmem>>, vector<2048x1xf32>,
    %iota3A_41 = tpu.iota {dimensions = array<i32: 0>} : vector<4096x1xi32>
    %jit3A_42 = arith.constant 2048 : i32
    %eq3A_43 = arith.constant 0 : i32
    %eq3A_44 = arith.cmpi eq, %jit3A_42, %eq3A_43 : i32
    %jit3A_45 = arith.constant 1 : i32
    %select_n3A_46 = arith.select %eq3A_44, %jit3A_45, %jit3A_42 : i32
    %rem3A = vector.broadcast %select_n3A_46 : i32 to vector<4096x1xi32>
    %rem3A_47 = arith.remsi %iota3A_41, %rem3A : vector<4096x1xi32>
    %ne3A = arith.constant 0 : i32
    %ne3A_48 = vector.broadcast %ne3A : i32 to vector<4096x1xi32>
    %ne3A_49 = arith.cmpi ne, %rem3A_47, %ne3A_48 : vector<4096x1xi32>
    %lt3A = arith.constant 0 : i32
    %lt3A_50 = vector.broadcast %lt3A : i32 to vector<4096x1xi32>
    %lt3A_51 = arith.cmpi slt, %rem3A_47, %lt3A_50 : vector<4096x1xi32>
    %lt3A_52 = arith.constant 0 : i32
    %lt3A_53 = arith.cmpi slt, %select_n3A_46, %lt3A_52 : i32
    %ne3A_54 = vector.broadcast %lt3A_53 : i1 to vector<4096x1xi1>
    %ne3A_55 = vector.broadcast %ne3A_54 : vector<4096x1xi1> to vector<4096x1xi1>
    %ne3A_56 = arith.xori %lt3A_51, %ne3A_55 : vector<4096x1xi1>
    %and3A = arith.andi %ne3A_56, %ne3A_49 : vector<4096x1xi1>
    %add3A_57 = vector.broadcast %select_n3A_46 : i32 to vector<4096x1xi32>
    %add3A_58 = arith.addi %rem3A_47, %add3A_57 : vector<4096x1xi32>
    %select_n3A_59 = arith.select %and3A, %add3A_58, %rem3A_47 : vector<4096x1xi1>, vector<4096x1xi32>
    %swap3A_60 = arith.constant 0 : index
    %swap3A_61 = arith.constant 0 : index
    %swap3A_62 = vector.load %arg4[%swap3A_60, %swap3A_61] : memref<4096x1xi32, #tpu.memory_space<vmem>>, vector<4096x1xi32>
    tpu.vector_store %arg4[%swap3A_60, %swap3A_61], %select_n3A_59 {strides = array<i32>} : memref<4096x1xi32, #tpu.memory_space<vmem>>, vector<4096x1xi32>,
    %reduce_sum3A = arith.constant dense<0.000000e+00> : vector<8xf32>
    %reduce_sum3A_63 = vector.multi_reduction <add>, %convert_element_type3A_25, %reduce_sum3A [0] : vector<2048x8xf32> to vector<8xf32>
    %broadcast_in_dim3A_64 = vector.shape_cast %reduce_sum3A_63 : vector<8xf32> to vector<1x8xf32>
    %reduce_sum3A_65 = arith.constant dense<0.000000e+00> : vector<8xf32>
    %reduce_sum3A_66 = vector.multi_reduction <add>, %convert_element_type3A_29, %reduce_sum3A_65 [0] : vector<2048x8xf32> to vector<8xf32>
    %broadcast_in_dim3A_67 = vector.shape_cast %reduce_sum3A_66 : vector<8xf32> to vector<1x8xf32>
    %add3A_68 = arith.addf %broadcast_in_dim3A_64, %broadcast_in_dim3A_67 : vector<1x8xf32>
    %mul3A = arith.constant 0.001953125 : f32
    %mul3A_69 = vector.broadcast %mul3A : f32 to vector<1x8xf32>
    %mul3A_70 = arith.mulf %add3A_68, %mul3A_69 : vector<1x8xf32>
    %ceil3A = math.ceil %mul3A_70 : vector<1x8xf32>
    %mul3A_71 = arith.constant 5.120000e+02 : f32
    %mul3A_72 = vector.broadcast %mul3A_71 : f32 to vector<1x8xf32>
    %mul3A_73 = arith.mulf %ceil3A, %mul3A_72 : vector<1x8xf32>
    %iota3A_74 = tpu.iota {dimensions = array<i32: 0>} : vector<8x8xi32>
    %iota3A_75 = tpu.iota {dimensions = array<i32: 1>} : vector<8x8xi32>
    %lt3A_76 = arith.cmpi slt, %iota3A_74, %iota3A_75 : vector<8x8xi32>
    %convert_element_type3A_77 = arith.extui %lt3A_76 : vector<8x8xi1> to vector<8x8xi32>
    %convert_element_type3A_78 = arith.sitofp %convert_element_type3A_77 : vector<8x8xi32> to vector<8x8xf32>
    %dot_general3A_79 = arith.constant dense<0.000000e+00> : vector<1x8xf32>
    %dot_general3A_80 = tpu.matmul %mul3A_73, %convert_element_type3A_78, %dot_general3A_79 {dimension_numbers = #tpu.dot_dimension_numbers<[1], [0], [0], [1], [0, 0, 1, 1], [], []>, transpose_lhs_hint = false} : vector<1x8xf32>, vector<8x8xf32>, vector<1x8xf32> -> vector<1x8xf32>
    %iota3A_81 = tpu.iota {dimensions = array<i32: 0>} : vector<512x512xi32>
    %iota3A_82 = tpu.iota {dimensions = array<i32: 1>} : vector<512x512xi32>
    %lt3A_83 = arith.cmpi slt, %iota3A_82, %iota3A_81 : vector<512x512xi32>
    %convert_element_type3A_84 = arith.extui %lt3A_83 : vector<512x512xi1> to vector<512x512xi32>
    %convert_element_type3A_85 = arith.sitofp %convert_element_type3A_84 : vector<512x512xi32> to vector<512x512xf32>
    %broadcast_in_dim3A_86 = arith.constant 0.000000e+00 : f32
    %broadcast_in_dim3A_87 = vector.broadcast %broadcast_in_dim3A_86 : f32 to vector<1x8xf32>
    %scan3A = arith.constant 0 : i32
    %scan3A_88 = arith.constant 8 : i32
    %scan3A_89 = arith.addi %scan3A, %scan3A_88 : i32
    %scan3A_90 = arith.constant 1 : i32
    %scan3A_91 = scf.for %scan3A_124 = %scan3A to %scan3A_89 step %scan3A_90 iter_args(%scan3A_125 = %broadcast_in_dim3A_87) -> (vector<1x8xf32>)  : i32 {
      %mul3A_126 = arith.constant 512 : i32
      %mul3A_127 = arith.muli %scan3A_124, %mul3A_126 : i32
      %get3A_128 = arith.index_cast %mul3A_127 : i32 to index
      %get3A_129 = arith.constant 0 : index
      %get3A_130 = vector.load %arg7[%get3A_128, %get3A_129] : memref<4096x8xf32, #tpu.memory_space<vmem>>, vector<512x8xf32>
      %dot_general3A_131 = arith.constant dense<0.000000e+00> : vector<512x8xf32>
      %dot_general3A_132 = tpu.matmul %convert_element_type3A_85, %get3A_130, %dot_general3A_131 {dimension_numbers = #tpu.dot_dimension_numbers<[1], [0], [0], [1], [0, 0, 1, 1], [], []>, transpose_lhs_hint = false} : vector<512x512xf32>, vector<512x8xf32>, vector<512x8xf32> -> vector<512x8xf32>
      %add3A_133 = arith.addf %dot_general3A_80, %scan3A_125 : vector<1x8xf32>
      %add3A_134 = vector.broadcast %add3A_133 : vector<1x8xf32> to vector<512x8xf32>
      %add3A_135 = arith.addf %add3A_134, %dot_general3A_132 : vector<512x8xf32>
      %mul3A_136 = arith.mulf %add3A_135, %get3A_130 : vector<512x8xf32>
      %reduce_sum3A_137 = arith.constant dense<0.000000e+00> : vector<512xf32>
      %reduce_sum3A_138 = vector.multi_reduction <add>, %mul3A_136, %reduce_sum3A_137 [1] : vector<512x8xf32> to vector<512xf32>
      %broadcast_in_dim3A_139 = vector.shape_cast %reduce_sum3A_138 : vector<512xf32> to vector<512x1xf32>
      %convert_element_type3A_140 = arith.fptosi %broadcast_in_dim3A_139 : vector<512x1xf32> to vector<512x1xi32>
      %mul3A_141 = arith.constant 512 : i32
      %mul3A_142 = arith.muli %scan3A_124, %mul3A_141 : i32
      %swap3A_143 = arith.index_cast %mul3A_142 : i32 to index
      %swap3A_144 = arith.constant 0 : index
      %swap3A_145 = vector.load %arg2[%swap3A_143, %swap3A_144] : memref<4096x1xi32, #tpu.memory_space<vmem>>, vector<512x1xi32>
      tpu.vector_store %arg2[%swap3A_143, %swap3A_144], %convert_element_type3A_140 {strides = array<i32>} : memref<4096x1xi32, #tpu.memory_space<vmem>>, vector<512x1xi32>,
      %reduce_sum3A_146 = arith.constant dense<0.000000e+00> : vector<8xf32>
      %reduce_sum3A_147 = vector.multi_reduction <add>, %get3A_130, %reduce_sum3A_146 [0] : vector<512x8xf32> to vector<8xf32>
      %broadcast_in_dim3A_148 = vector.shape_cast %reduce_sum3A_147 : vector<8xf32> to vector<1x8xf32>
      %add3A_149 = arith.addf %scan3A_125, %broadcast_in_dim3A_148 : vector<1x8xf32>
      scf.yield %add3A_149 : vector<1x8xf32>
    }
    %scan3A_92 = arith.constant 8 : i32
    %iota3A_93 = tpu.iota {dimensions = array<i32: 0>} : vector<128x1xi32>
    %convert_element_type3A_94 = arith.sitofp %iota3A_93 : vector<128x1xi32> to vector<128x1xf32>
    %mul3A_95 = arith.constant 5.120000e+02 : f32
    %mul3A_96 = vector.broadcast %mul3A_95 : f32 to vector<128x1xf32>
    %mul3A_97 = arith.mulf %convert_element_type3A_94, %mul3A_96 : vector<128x1xf32>
    %ge3A = vector.broadcast %mul3A_97 : vector<128x1xf32> to vector<128x8xf32>
    %ge3A_98 = vector.broadcast %dot_general3A_80 : vector<1x8xf32> to vector<128x8xf32>
    %ge3A_99 = arith.cmpf oge, %ge3A, %ge3A_98 : vector<128x8xf32>
    %convert_element_type3A_100 = arith.extui %ge3A_99 : vector<128x8xi1> to vector<128x8xi32>
    %convert_element_type3A_101 = arith.sitofp %convert_element_type3A_100 : vector<128x8xi32> to vector<128x8xf32>
    %broadcast_in_dim3A_102 = arith.constant 1.000000e+00 : f32
    %broadcast_in_dim3A_103 = vector.broadcast %broadcast_in_dim3A_102 : f32 to vector<8x1xf32>
    %dot_general3A_104 = arith.constant dense<0.000000e+00> : vector<128x1xf32>
    %dot_general3A_105 = tpu.matmul %convert_element_type3A_101, %broadcast_in_dim3A_103, %dot_general3A_104 {dimension_numbers = #tpu.dot_dimension_numbers<[1], [0], [0], [1], [0, 0, 1, 1], [], []>, transpose_lhs_hint = false} : vector<128x8xf32>, vector<8x1xf32>, vector<128x1xf32> -> vector<128x1xf32>
    %sub3A_106 = arith.constant 1.000000e+00 : f32
    %sub3A_107 = vector.broadcast %sub3A_106 : f32 to vector<128x1xf32>
    %sub3A_108 = arith.subf %dot_general3A_105, %sub3A_107 : vector<128x1xf32>
    %convert_element_type3A_109 = arith.fptosi %sub3A_108 : vector<128x1xf32> to vector<128x1xi32>
    %swap3A_110 = arith.constant 0 : index
    %swap3A_111 = arith.constant 0 : index
    %swap3A_112 = vector.load %arg5[%swap3A_110, %swap3A_111] : memref<128x1xi32, #tpu.memory_space<vmem>>, vector<128x1xi32>
    tpu.vector_store %arg5[%swap3A_110, %swap3A_111], %convert_element_type3A_109 {strides = array<i32>} : memref<128x1xi32, #tpu.memory_space<vmem>>, vector<128x1xi32>,
    %reduce_sum3A_113 = vector.shape_cast %mul3A_73 : vector<1x8xf32> to vector<1x1x8xf32>
    %reduce_sum3A_114 = arith.constant dense<0.000000e+00> : vector<1xf32>
    %reduce_sum3A_115 = vector.multi_reduction <add>, %reduce_sum3A_113, %reduce_sum3A_114 [1, 2] : vector<1x1x8xf32> to vector<1xf32>
    %reduce_sum3A_116 = vector.shape_cast %reduce_sum3A_115 : vector<1xf32> to vector<1x1x1xf32>
    %reduce_sum3A_117 = vector.extract %reduce_sum3A_116[0, 0, 0] : f32 from vector<1x1x1xf32>
    %lt3A_118 = vector.broadcast %reduce_sum3A_117 : f32 to vector<128x1xf32>
    %lt3A_119 = arith.cmpf olt, %mul3A_97, %lt3A_118 : vector<128x1xf32>
    %convert_element_type3A_120 = arith.extui %lt3A_119 : vector<128x1xi1> to vector<128x1xi32>
    %swap3A_121 = arith.constant 0 : index
    %swap3A_122 = arith.constant 0 : index
    %swap3A_123 = vector.load %arg6[%swap3A_121, %swap3A_122] : memref<128x1xi32, #tpu.memory_space<vmem>>, vector<128x1xi32>
    tpu.vector_store %arg6[%swap3A_121, %swap3A_122], %convert_element_type3A_120 {strides = array<i32>} : memref<128x1xi32, #tpu.memory_space<vmem>>, vector<128x1xi32>,
    return
  }
}

module attributes {stable_mosaic.version = 14 : i64} {
  func.func @_expert_body(%arg0: i32, %arg1: memref<2x15xi32, #tpu.memory_space<smem>>, %arg2: memref<512x1024xbf16, #tpu.memory_space<vmem>>, %arg3: memref<1x1024x2048xbf16, #tpu.memory_space<vmem>>, %arg4: memref<1x1024x2048xbf16, #tpu.memory_space<vmem>>, %arg5: memref<1x2048x1024xbf16, #tpu.memory_space<vmem>>, %arg6: memref<512x1024xf32, #tpu.memory_space<vmem>>) attributes {dimension_semantics = [#tpu.dimension_semantics<arbitrary>], iteration_bounds = array<i64: 15>, scalar_prefetch = 1 : i64, scratch_operands = 0 : i64, tpu.core_type = #tpu.core_type<tc>, window_params = [{transform_indices = @transform_0, window_bounds = array<i64: 512, 1024>}, {transform_indices = @transform_1, window_bounds = array<i64: 1, 1024, 2048>}, {transform_indices = @transform_2, window_bounds = array<i64: 1, 1024, 2048>}, {transform_indices = @transform_3, window_bounds = array<i64: 1, 2048, 1024>}, {transform_indices = @transform_4, window_bounds = array<i64: 512, 1024>}]} {
    %get3A = arith.constant 1 : index
    %get3A_0 = arith.index_cast %arg0 : i32 to index
    %get3A_1 = memref.load %arg1[%get3A, %get3A_0] : memref<2x15xi32, #tpu.memory_space<smem>>
    %eq3A = arith.constant 1 : i32
    %eq3A_2 = arith.cmpi eq, %get3A_1, %eq3A : i32
    %convert_element_type3A = arith.extui %eq3A_2 : i1 to i32
    %cond3A = arith.constant 0 : i32
    %cond3A_3 = arith.cmpi ne, %convert_element_type3A, %cond3A : i32
    scf.if %cond3A_3 {
      %get3A_4 = arith.constant 0 : index
      %get3A_5 = arith.constant 0 : index
      %get3A_6 = vector.load %arg2[%get3A_4, %get3A_5] : memref<512x1024xbf16, #tpu.memory_space<vmem>>, vector<512x1024xbf16>
      %get3A_7 = arith.constant 0 : index
      %get3A_8 = arith.constant 0 : index
      %get3A_9 = arith.constant 0 : index
      %get3A_10 = vector.load %arg3[%get3A_7, %get3A_8, %get3A_9] : memref<1x1024x2048xbf16, #tpu.memory_space<vmem>>, vector<1x1024x512xbf16>
      %get3A_11 = vector.shape_cast %get3A_10 : vector<1x1024x512xbf16> to vector<1024x512xbf16>
      %get3A_12 = arith.constant 0 : index
      %get3A_13 = arith.constant 0 : index
      %get3A_14 = arith.constant 0 : index
      %get3A_15 = vector.load %arg4[%get3A_12, %get3A_13, %get3A_14] : memref<1x1024x2048xbf16, #tpu.memory_space<vmem>>, vector<1x1024x512xbf16>
      %get3A_16 = vector.shape_cast %get3A_15 : vector<1x1024x512xbf16> to vector<1024x512xbf16>
      %get3A_17 = arith.constant 0 : index
      %get3A_18 = arith.constant 0 : index
      %get3A_19 = arith.constant 0 : index
      %get3A_20 = vector.load %arg5[%get3A_17, %get3A_18, %get3A_19] : memref<1x2048x1024xbf16, #tpu.memory_space<vmem>>, vector<1x512x1024xbf16>
      %get3A_21 = vector.shape_cast %get3A_20 : vector<1x512x1024xbf16> to vector<512x1024xbf16>
      %dot_general3A = arith.constant dense<0.000000e+00> : vector<512x512xf32>
      %dot_general3A_22 = tpu.matmul %get3A_6, %get3A_11, %dot_general3A {dimension_numbers = #tpu.dot_dimension_numbers<[1], [0], [0], [1], [0, 0, 1, 1], [], []>, transpose_lhs_hint = false} : vector<512x1024xbf16>, vector<1024x512xbf16>, vector<512x512xf32> -> vector<512x512xf32>
      %dot_general3A_23 = arith.constant dense<0.000000e+00> : vector<512x512xf32>
      %dot_general3A_24 = tpu.matmul %get3A_6, %get3A_16, %dot_general3A_23 {dimension_numbers = #tpu.dot_dimension_numbers<[1], [0], [0], [1], [0, 0, 1, 1], [], []>, transpose_lhs_hint = false} : vector<512x1024xbf16>, vector<1024x512xbf16>, vector<512x512xf32> -> vector<512x512xf32>
      %logistic3A = arith.negf %dot_general3A_22 : vector<512x512xf32>
      %logistic3A_25 = math.exp %logistic3A : vector<512x512xf32>
      %logistic3A_26 = arith.constant 1.000000e+00 : f32
      %logistic3A_27 = vector.broadcast %logistic3A_26 : f32 to vector<512x512xf32>
      %logistic3A_28 = arith.addf %logistic3A_27, %logistic3A_25 : vector<512x512xf32>
      %logistic3A_29 = arith.divf %logistic3A_27, %logistic3A_28 : vector<512x512xf32>
      %mul3A = arith.mulf %dot_general3A_22, %logistic3A_29 : vector<512x512xf32>
      %mul3A_30 = arith.mulf %mul3A, %dot_general3A_24 : vector<512x512xf32>
      %convert_element_type3A_31 = arith.truncf %mul3A_30 : vector<512x512xf32> to vector<512x512xbf16>
      %dot_general3A_32 = arith.constant dense<0.000000e+00> : vector<512x1024xf32>
      %dot_general3A_33 = tpu.matmul %convert_element_type3A_31, %get3A_21, %dot_general3A_32 {dimension_numbers = #tpu.dot_dimension_numbers<[1], [0], [0], [1], [0, 0, 1, 1], [], []>, transpose_lhs_hint = false} : vector<512x512xbf16>, vector<512x1024xbf16>, vector<512x1024xf32> -> vector<512x1024xf32>
      %get3A_34 = arith.constant 0 : index
      %get3A_35 = arith.constant 0 : index
      %get3A_36 = arith.constant 512 : index
      %get3A_37 = vector.load %arg3[%get3A_34, %get3A_35, %get3A_36] : memref<1x1024x2048xbf16, #tpu.memory_space<vmem>>, vector<1x1024x512xbf16>
      %get3A_38 = vector.shape_cast %get3A_37 : vector<1x1024x512xbf16> to vector<1024x512xbf16>
      %get3A_39 = arith.constant 0 : index
      %get3A_40 = arith.constant 0 : index
      %get3A_41 = arith.constant 512 : index
      %get3A_42 = vector.load %arg4[%get3A_39, %get3A_40, %get3A_41] : memref<1x1024x2048xbf16, #tpu.memory_space<vmem>>, vector<1x1024x512xbf16>
      %get3A_43 = vector.shape_cast %get3A_42 : vector<1x1024x512xbf16> to vector<1024x512xbf16>
      %get3A_44 = arith.constant 0 : index
      %get3A_45 = arith.constant 512 : index
      %get3A_46 = arith.constant 0 : index
      %get3A_47 = vector.load %arg5[%get3A_44, %get3A_45, %get3A_46] : memref<1x2048x1024xbf16, #tpu.memory_space<vmem>>, vector<1x512x1024xbf16>
      %get3A_48 = vector.shape_cast %get3A_47 : vector<1x512x1024xbf16> to vector<512x1024xbf16>
      %dot_general3A_49 = arith.constant dense<0.000000e+00> : vector<512x512xf32>
      %dot_general3A_50 = tpu.matmul %get3A_6, %get3A_38, %dot_general3A_49 {dimension_numbers = #tpu.dot_dimension_numbers<[1], [0], [0], [1], [0, 0, 1, 1], [], []>, transpose_lhs_hint = false} : vector<512x1024xbf16>, vector<1024x512xbf16>, vector<512x512xf32> -> vector<512x512xf32>
      %dot_general3A_51 = arith.constant dense<0.000000e+00> : vector<512x512xf32>
      %dot_general3A_52 = tpu.matmul %get3A_6, %get3A_43, %dot_general3A_51 {dimension_numbers = #tpu.dot_dimension_numbers<[1], [0], [0], [1], [0, 0, 1, 1], [], []>, transpose_lhs_hint = false} : vector<512x1024xbf16>, vector<1024x512xbf16>, vector<512x512xf32> -> vector<512x512xf32>
      %logistic3A_53 = arith.negf %dot_general3A_50 : vector<512x512xf32>
      %logistic3A_54 = math.exp %logistic3A_53 : vector<512x512xf32>
      %logistic3A_55 = arith.constant 1.000000e+00 : f32
      %logistic3A_56 = vector.broadcast %logistic3A_55 : f32 to vector<512x512xf32>
      %logistic3A_57 = arith.addf %logistic3A_56, %logistic3A_54 : vector<512x512xf32>
      %logistic3A_58 = arith.divf %logistic3A_56, %logistic3A_57 : vector<512x512xf32>
      %mul3A_59 = arith.mulf %dot_general3A_50, %logistic3A_58 : vector<512x512xf32>
      %mul3A_60 = arith.mulf %mul3A_59, %dot_general3A_52 : vector<512x512xf32>
      %convert_element_type3A_61 = arith.truncf %mul3A_60 : vector<512x512xf32> to vector<512x512xbf16>
      %dot_general3A_62 = arith.constant dense<0.000000e+00> : vector<512x1024xf32>
      %dot_general3A_63 = tpu.matmul %convert_element_type3A_61, %get3A_48, %dot_general3A_62 {dimension_numbers = #tpu.dot_dimension_numbers<[1], [0], [0], [1], [0, 0, 1, 1], [], []>, transpose_lhs_hint = false} : vector<512x512xbf16>, vector<512x1024xbf16>, vector<512x1024xf32> -> vector<512x1024xf32>
      %add3A = arith.addf %dot_general3A_33, %dot_general3A_63 : vector<512x1024xf32>
      %get3A_64 = arith.constant 0 : index
      %get3A_65 = arith.constant 0 : index
      %get3A_66 = arith.constant 1024 : index
      %get3A_67 = vector.load %arg3[%get3A_64, %get3A_65, %get3A_66] : memref<1x1024x2048xbf16, #tpu.memory_space<vmem>>, vector<1x1024x512xbf16>
      %get3A_68 = vector.shape_cast %get3A_67 : vector<1x1024x512xbf16> to vector<1024x512xbf16>
      %get3A_69 = arith.constant 0 : index
      %get3A_70 = arith.constant 0 : index
      %get3A_71 = arith.constant 1024 : index
      %get3A_72 = vector.load %arg4[%get3A_69, %get3A_70, %get3A_71] : memref<1x1024x2048xbf16, #tpu.memory_space<vmem>>, vector<1x1024x512xbf16>
      %get3A_73 = vector.shape_cast %get3A_72 : vector<1x1024x512xbf16> to vector<1024x512xbf16>
      %get3A_74 = arith.constant 0 : index
      %get3A_75 = arith.constant 1024 : index
      %get3A_76 = arith.constant 0 : index
      %get3A_77 = vector.load %arg5[%get3A_74, %get3A_75, %get3A_76] : memref<1x2048x1024xbf16, #tpu.memory_space<vmem>>, vector<1x512x1024xbf16>
      %get3A_78 = vector.shape_cast %get3A_77 : vector<1x512x1024xbf16> to vector<512x1024xbf16>
      %dot_general3A_79 = arith.constant dense<0.000000e+00> : vector<512x512xf32>
      %dot_general3A_80 = tpu.matmul %get3A_6, %get3A_68, %dot_general3A_79 {dimension_numbers = #tpu.dot_dimension_numbers<[1], [0], [0], [1], [0, 0, 1, 1], [], []>, transpose_lhs_hint = false} : vector<512x1024xbf16>, vector<1024x512xbf16>, vector<512x512xf32> -> vector<512x512xf32>
      %dot_general3A_81 = arith.constant dense<0.000000e+00> : vector<512x512xf32>
      %dot_general3A_82 = tpu.matmul %get3A_6, %get3A_73, %dot_general3A_81 {dimension_numbers = #tpu.dot_dimension_numbers<[1], [0], [0], [1], [0, 0, 1, 1], [], []>, transpose_lhs_hint = false} : vector<512x1024xbf16>, vector<1024x512xbf16>, vector<512x512xf32> -> vector<512x512xf32>
      %logistic3A_83 = arith.negf %dot_general3A_80 : vector<512x512xf32>
      %logistic3A_84 = math.exp %logistic3A_83 : vector<512x512xf32>
      %logistic3A_85 = arith.constant 1.000000e+00 : f32
      %logistic3A_86 = vector.broadcast %logistic3A_85 : f32 to vector<512x512xf32>
      %logistic3A_87 = arith.addf %logistic3A_86, %logistic3A_84 : vector<512x512xf32>
      %logistic3A_88 = arith.divf %logistic3A_86, %logistic3A_87 : vector<512x512xf32>
      %mul3A_89 = arith.mulf %dot_general3A_80, %logistic3A_88 : vector<512x512xf32>
      %mul3A_90 = arith.mulf %mul3A_89, %dot_general3A_82 : vector<512x512xf32>
      %convert_element_type3A_91 = arith.truncf %mul3A_90 : vector<512x512xf32> to vector<512x512xbf16>
      %dot_general3A_92 = arith.constant dense<0.000000e+00> : vector<512x1024xf32>
      %dot_general3A_93 = tpu.matmul %convert_element_type3A_91, %get3A_78, %dot_general3A_92 {dimension_numbers = #tpu.dot_dimension_numbers<[1], [0], [0], [1], [0, 0, 1, 1], [], []>, transpose_lhs_hint = false} : vector<512x512xbf16>, vector<512x1024xbf16>, vector<512x1024xf32> -> vector<512x1024xf32>
      %add3A_94 = arith.addf %add3A, %dot_general3A_93 : vector<512x1024xf32>
      %get3A_95 = arith.constant 0 : index
      %get3A_96 = arith.constant 0 : index
      %get3A_97 = arith.constant 1536 : index
      %get3A_98 = vector.load %arg3[%get3A_95, %get3A_96, %get3A_97] : memref<1x1024x2048xbf16, #tpu.memory_space<vmem>>, vector<1x1024x512xbf16>
      %get3A_99 = vector.shape_cast %get3A_98 : vector<1x1024x512xbf16> to vector<1024x512xbf16>
      %get3A_100 = arith.constant 0 : index
      %get3A_101 = arith.constant 0 : index
      %get3A_102 = arith.constant 1536 : index
      %get3A_103 = vector.load %arg4[%get3A_100, %get3A_101, %get3A_102] : memref<1x1024x2048xbf16, #tpu.memory_space<vmem>>, vector<1x1024x512xbf16>
      %get3A_104 = vector.shape_cast %get3A_103 : vector<1x1024x512xbf16> to vector<1024x512xbf16>
      %get3A_105 = arith.constant 0 : index
      %get3A_106 = arith.constant 1536 : index
      %get3A_107 = arith.constant 0 : index
      %get3A_108 = vector.load %arg5[%get3A_105, %get3A_106, %get3A_107] : memref<1x2048x1024xbf16, #tpu.memory_space<vmem>>, vector<1x512x1024xbf16>
      %get3A_109 = vector.shape_cast %get3A_108 : vector<1x512x1024xbf16> to vector<512x1024xbf16>
      %dot_general3A_110 = arith.constant dense<0.000000e+00> : vector<512x512xf32>
      %dot_general3A_111 = tpu.matmul %get3A_6, %get3A_99, %dot_general3A_110 {dimension_numbers = #tpu.dot_dimension_numbers<[1], [0], [0], [1], [0, 0, 1, 1], [], []>, transpose_lhs_hint = false} : vector<512x1024xbf16>, vector<1024x512xbf16>, vector<512x512xf32> -> vector<512x512xf32>
      %dot_general3A_112 = arith.constant dense<0.000000e+00> : vector<512x512xf32>
      %dot_general3A_113 = tpu.matmul %get3A_6, %get3A_104, %dot_general3A_112 {dimension_numbers = #tpu.dot_dimension_numbers<[1], [0], [0], [1], [0, 0, 1, 1], [], []>, transpose_lhs_hint = false} : vector<512x1024xbf16>, vector<1024x512xbf16>, vector<512x512xf32> -> vector<512x512xf32>
      %logistic3A_114 = arith.negf %dot_general3A_111 : vector<512x512xf32>
      %logistic3A_115 = math.exp %logistic3A_114 : vector<512x512xf32>
      %logistic3A_116 = arith.constant 1.000000e+00 : f32
      %logistic3A_117 = vector.broadcast %logistic3A_116 : f32 to vector<512x512xf32>
      %logistic3A_118 = arith.addf %logistic3A_117, %logistic3A_115 : vector<512x512xf32>
      %logistic3A_119 = arith.divf %logistic3A_117, %logistic3A_118 : vector<512x512xf32>
      %mul3A_120 = arith.mulf %dot_general3A_111, %logistic3A_119 : vector<512x512xf32>
      %mul3A_121 = arith.mulf %mul3A_120, %dot_general3A_113 : vector<512x512xf32>
      %convert_element_type3A_122 = arith.truncf %mul3A_121 : vector<512x512xf32> to vector<512x512xbf16>
      %dot_general3A_123 = arith.constant dense<0.000000e+00> : vector<512x1024xf32>
      %dot_general3A_124 = tpu.matmul %convert_element_type3A_122, %get3A_109, %dot_general3A_123 {dimension_numbers = #tpu.dot_dimension_numbers<[1], [0], [0], [1], [0, 0, 1, 1], [], []>, transpose_lhs_hint = false} : vector<512x512xbf16>, vector<512x1024xbf16>, vector<512x1024xf32> -> vector<512x1024xf32>
      %add3A_125 = arith.addf %add3A_94, %dot_general3A_124 : vector<512x1024xf32>
      %swap3A = arith.constant 0 : index
      %swap3A_126 = arith.constant 0 : index
      %swap3A_127 = vector.load %arg6[%swap3A, %swap3A_126] : memref<512x1024xf32, #tpu.memory_space<vmem>>, vector<512x1024xf32>
      tpu.vector_store %arg6[%swap3A, %swap3A_126], %add3A_125 {strides = array<i32>} : memref<512x1024xf32, #tpu.memory_space<vmem>>, vector<512x1024xf32>,
    } else {
    }
    return
  }
  func.func @transform_0(%arg0: i32, %arg1: memref<2x15xi32, #tpu.memory_space<smem>>) -> (i32, i32) {
    %c0_i32 = arith.constant 0 : i32
    %c0_i32_0 = arith.constant 0 : i32
    return %arg0, %c0_i32 : i32, i32
  }
  func.func @transform_1(%arg0: i32, %arg1: memref<2x15xi32, #tpu.memory_space<smem>>) -> (i32, i32, i32) {
    %get3A = arith.constant 0 : index
    %get3A_0 = arith.index_cast %arg0 : i32 to index
    %get3A_1 = memref.load %arg1[%get3A, %get3A_0] : memref<2x15xi32, #tpu.memory_space<smem>>
    %c0_i32 = arith.constant 0 : i32
    %c0_i32_2 = arith.constant 0 : i32
    %c0_i32_3 = arith.constant 0 : i32
    return %get3A_1, %c0_i32, %c0_i32_2 : i32, i32, i32
  }
  func.func @transform_2(%arg0: i32, %arg1: memref<2x15xi32, #tpu.memory_space<smem>>) -> (i32, i32, i32) {
    %get3A = arith.constant 0 : index
    %get3A_0 = arith.index_cast %arg0 : i32 to index
    %get3A_1 = memref.load %arg1[%get3A, %get3A_0] : memref<2x15xi32, #tpu.memory_space<smem>>
    %c0_i32 = arith.constant 0 : i32
    %c0_i32_2 = arith.constant 0 : i32
    %c0_i32_3 = arith.constant 0 : i32
    return %get3A_1, %c0_i32, %c0_i32_2 : i32, i32, i32
  }
  func.func @transform_3(%arg0: i32, %arg1: memref<2x15xi32, #tpu.memory_space<smem>>) -> (i32, i32, i32) {
    %get3A = arith.constant 0 : index
    %get3A_0 = arith.index_cast %arg0 : i32 to index
    %get3A_1 = memref.load %arg1[%get3A, %get3A_0] : memref<2x15xi32, #tpu.memory_space<smem>>
    %c0_i32 = arith.constant 0 : i32
    %c0_i32_2 = arith.constant 0 : i32
    %c0_i32_3 = arith.constant 0 : i32
    return %get3A_1, %c0_i32, %c0_i32_2 : i32, i32, i32
  }
  func.func @transform_4(%arg0: i32, %arg1: memref<2x15xi32, #tpu.memory_space<smem>>) -> (i32, i32) {
    %c0_i32 = arith.constant 0 : i32
    %c0_i32_0 = arith.constant 0 : i32
    return %arg0, %c0_i32 : i32, i32
  }
}

</mosaic_0001>

<sc_bundles>
// kernel: kernel.6.cloned.1.call-start
scs
__scs_entry_jumppad:
0x0: {  	(pc) =	sbr.rel $0x88, $3  }
0x1: {  	(tag) =	ssettag $0x0;
	lr =	simm.s32 $0x1  }
0x2: {  	[smem:$0x3F9C] =	sst lr;
	_ =	strace $0xD0000000  }
0x3: {  	_ = 	snop  }
0x4: {  	_ = 	snop  }
0x5: {  	_ = 	snop  }
0x6: {  	_ = 	snop  }
0x7: {  	_ = 	snop  }
__scs_overlays_trampoline_lowered:
0x8: {  	[smem:$0x3FAB] =	sst s0  }
0x9: {  	[smem:$0x3FAC] =	sst s1  }
0xa: {  	[smem:$0x3FAD] =	sst s2  }
0xb: {  	[smem:$0x3FAE] =	sst s3  }
0xc: {  	[smem:$0x3FAF] =	sst s4  }
0xd: {  	[smem:$0x3FB0] =	sst s5  }
0xe: {  	[smem:$0x3FB1] =	sst s6  }
0xf: {  	[smem:$0x3FB2] =	sst s7  }
0x10: {  	[smem:$0x3FB3] =	sst s8  }
0x11: {  	[smem:$0x3FB4] =	sst s9;
	s0 =	simm.s32 @!p0 $0x0  }
0x12: {  	s1 =	sld [smem:$0x3F9A];
	s0 =	simm.s32 @p0 $0x1  }
0x13: {  	[smem:$0x3FB5] =	sst s0;
	s0 =	simm.s32 @!p1 $0x0  }
0x14: {  	s2 =	sld [smem:$0x3F99];
	s0 =	simm.s32 @p1 $0x1  }
0x15: {  	[smem:$0x3FB6] =	sst s0;
	s0 =	simm.s32 @!p2 $0x0  }
0x16: {  	s3 =	sld [smem:$0x3FDB];
	s0 =	simm.s32 @p2 $0x1  }
0x17: {  	s4 =	simm.s32 $0x1BF5;
	[smem:$0x3FB8] =	sst s0  }
0x18: {  	s0 =	sld [smem:$0x3F9B];
	_ =	swait.ge [sflag:s4], $0x0  }
0x19: {  	s7 =	sld [smem:$0x3F9C]  }
0x1a: {  	s8 =	sadd.s32 $0xFFFFE003, lr  }
0x1b: {  	s9 =	sadd.s32 $0xFFFFFEF7, lr;
	s5 =	simm.s32 $0xFFFFFFFF;
	p2 =	slt.u32 s8, $0xFFFFF086  }
0x1c: {  	p1 =	slt.u32 s9, $0xF7A;
	s5 =	simm.s32 @!p2 $0x0  }
0x1d: {  	s5 =	simm.s32 @p1 $0x1;
	p0 =	seq.s32 s7, s2  }
0x1e: {  	s7 =	smul.u32 @!p0 $0xF7A, s2;
	p2 =	seq.s32 @!p0 s5, $0x0  }
0x1f: {  	s9 =	smul.u32 $0xF7A, s1;
	s8 =	simm.s32 @!p0 $0x1BF5;
	p2 =	por !p2, p0  }
0x20: {  	[sflag:s8] =	ssyncset.s32 @!p0 $0xFFFFF086;
	s6 =	sadd.s32 @!p0 s3, s7;
	s7 =	simm.s32 @!p0 $0x108  }
0x21: {  	s3 =	sadd.s32 s3, s9;
	s6 =	sadd.s32 @!p0 $0x88, s6;
	s7 =	simm.s32 @p2 $0x1082  }
0x22: {  	[simem:s7], [sflag:s8] =	dma.local @!p0 [hbm:s6], $0xF7A  }
0x23: {  	s9 =	sor.u32 $0xD0000000, s2;
	s6 =	simm.s32 $0x108;
	_ =	swait.ge @!p0 [sflag:s8], $0x0  }
0x24: {  	s3 =	sadd.s32 $0x88, s3;
	s6 =	simm.s32 @!p1 $0x1082;
	[sflag:s4] =	ssyncset.s32 $0xFFFFF086  }
0x25: {  	[simem:s6], [sflag:s4] =	dma.local [hbm:s3], $0xF7A  }
0x26: {  	[smem:$0x3F9C] =	sst s1;
	(tag) =	ssettag s2;
	_ =	strace s9  }
0x27: {  	s1 =	sld [smem:$0x3FAC]  }
0x28: {  	s2 =	sld [smem:$0x3FAD]  }
0x29: {  	s4 =	sld [smem:$0x3FAF]  }
0x2a: {  	p0 =	seq.s32 s5, $0x0;
	s5 =	sld [smem:$0x3FB0]  }
0x2b: {  	s6 =	sld [smem:$0x3FB1]  }
0x2c: {  	s7 =	sld [smem:$0x3FB2]  }
0x2d: {  	s3 =	simm.s32 $0x108;
	s8 =	sld [smem:$0x3FB3]  }
0x2e: {  	s3 =	simm.s32 @!p0 $0x1082;
	s9 =	sld [smem:$0x3FB4]  }
0x2f: {  	lr =	sadd.s32 s0, s3;
	s0 =	sld [smem:$0x3FAB]  }
0x30: {  	s3 =	sld [smem:$0x3FAE]  }
0x31: {  	[smem:$0x3FB7] =	sst s10  }
0x32: {  	s10 =	sld [smem:$0x3FB5];
	_ =	sdelay $0x3  }
0x33: {  	p0 =	seq.s32 s10, $0x1;
	s10 =	sld [smem:$0x3FB7];
	_ =	sdelay $0x3  }
0x34: {  	[smem:$0x3FB7] =	sst s10  }
0x35: {  	s10 =	sld [smem:$0x3FB6];
	_ =	sdelay $0x3  }
0x36: {  	p1 =	seq.s32 s10, $0x1;
	s10 =	sld [smem:$0x3FB7];
	_ =	sdelay $0x3  }
0x37: {  	[smem:$0x3FB7] =	sst s10  }
0x38: {  	s10 =	sld [smem:$0x3FB8]  }
0x39: {  	_ = 	snop;
	(pc) =	sbr.ind lr, $3  }
0x3a: {  	_ = 	snop  }
0x3b: {  	_ = 	snop  }
0x3c: {  	p2 =	seq.s32 s10, $0x1;
	s10 =	sld [smem:$0x3FB7]  }
0x3d: {  	_ =	shalt  }
0x3e: {  	_ =	shalt  }
0x3f: {  	_ =	shalt  }
0x40: {  	_ =	shalt  }
0x41: {  	_ =	shalt  }
0x42: {  	_ =	shalt  }
0x43: {  	_ =	shalt  }
0x44: {  	_ =	shalt  }
0x45: {  	_ =	shalt  }
0x46: {  	_ =	shalt  }
0x47: {  	_ =	shalt  }
0x48: {  	_ =	shalt  }
0x49: {  	_ =	shalt  }
0x4a: {  	_ =	shalt  }
0x4b: {  	_ =	shalt  }
0x4c: {  	_ =	shalt  }
0x4d: {  	_ =	shalt  }
0x4e: {  	_ =	shalt  }
0x4f: {  	_ =	shalt  }
0x50: {  	_ =	shalt  }
0x51: {  	_ =	shalt  }
0x52: {  	_ =	shalt  }
0x53: {  	_ =	shalt  }
0x54: {  	_ =	shalt  }
0x55: {  	_ =	shalt  }
0x56: {  	_ =	shalt  }
0x57: {  	_ =	shalt  }
0x58: {  	_ =	shalt  }
0x59: {  	_ =	shalt  }
0x5a: {  	_ =	shalt  }
0x5b: {  	_ =	shalt  }
0x5c: {  	_ =	shalt  }
0x5d: {  	_ =	shalt  }
0x5e: {  	_ =	shalt  }
0x5f: {  	_ =	shalt  }
0x60: {  	_ =	shalt  }
0x61: {  	_ =	shalt  }
0x62: {  	_ =	shalt  }
0x63: {  	_ =	shalt  }
0x64: {  	_ =	shalt  }
0x65: {  	_ =	shalt  }
0x66: {  	_ =	shalt  }
0x67: {  	_ =	shalt  }
0x68: {  	_ =	shalt  }
0x69: {  	_ =	shalt  }
0x6a: {  	_ =	shalt  }
0x6b: {  	_ =	shalt  }
0x6c: {  	_ =	shalt  }
0x6d: {  	_ =	shalt  }
0x6e: {  	_ =	shalt  }
0x6f: {  	_ =	shalt  }
0x70: {  	_ =	shalt  }
0x71: {  	_ =	shalt  }
0x72: {  	_ =	shalt  }
0x73: {  	_ =	shalt  }
0x74: {  	_ =	shalt  }
0x75: {  	_ =	shalt  }
0x76: {  	_ =	shalt  }
0x77: {  	_ =	shalt  }
0x78: {  	_ =	shalt  }
0x79: {  	_ =	shalt  }
0x7a: {  	_ =	shalt  }
0x7b: {  	_ =	shalt  }
0x7c: {  	_ =	shalt  }
0x7d: {  	_ =	shalt  }
0x7e: {  	_ =	shalt  }
0x7f: {  	_ =	shalt  }
0x80: {  	_ =	shalt  }
0x81: {  	_ =	shalt  }
0x82: {  	_ =	shalt  }
0x83: {  	_ =	shalt  }
0x84: {  	_ =	shalt  }
0x85: {  	_ =	shalt  }
0x86: {  	_ =	shalt  }
0x87: {  	_ =	shalt  }
.Lfunc_end0:
.L_simem_size_0:
called_computation_lowered:
.L_overlay_start_0:
0x88: {  	s2 =	sld [smem:$0x3FD9]  }
0x89: {  	s3 =	sld [smem:$0x3FFE];
	_ =	sdelay $0x1  }
0x8a: {  	s1 =	srdreg.scid  }
0x8b: {  	s0 =	sand.u32 $0x1, s1  }
0x8c: {  	s17 =	sshll.u32 s0, $0xA;
	s2 =	sadd.s32 s3, s2  }
0x8d: {  	s2 =	sadd.s32 s2, s17  }
0x8e: {  	[smem:$0x3FC3] =	sst s2  }
0x8f: {  	_ = 	snop  }
0x90: {  	s2 =	sld [smem:$0x3FD0];
	(tm) =	ssettm $0x1  }
0x91: {  	s18 =	sld [smem:$0x3FFB];
	_ =	sdelay $0x3  }
0x92: {  	_ =	strace s18  }
0x93: {  	s3 =	sld [smem:$0x3FFC];
	_ =	sdelay $0x3  }
0x94: {  	_ =	strace s3  }
0x95: {  	s3 =	sld [smem:$0x3FFD];
	_ =	sdelay $0x3  }
0x96: {  	_ =	strace s3  }
0x97: {  	_ =	strace $0x8FFFFFFF  }
0x98: {  	s19 =	sld [smem:$0x3FDB];
	_ =	sdelay $0x1  }
0x99: {  	s4 =	simm.s32 $_scs_section_size  }
0x9a: {  	s5 =	simm.s32 $_size__tile_overlayer_lowered;
	s6 =	simm.s32 $_tile_overlayer_lowered  }
0x9b: {  	s22 =	simm.s32 $0x1BFF;
	s21 =	sshll.u32 s6, $0x1;
	s3 =	sadd.s32 s4, s19  }
0x9c: {  	s7 =	simm.s32 $0x0;
	s20 =	sshll.u32 s5, $0x1;
	s5 =	sadd.s32 s21, s3  }
0x9d: {  	[timem:s7], [sflag:s22] =	dma.local [hbm:s5], s20  }
0x9e: {  	_ =	swait.ge [sflag:s22], s20  }
0x9f: {  	s4 =	ssub.s32 $0x0, s20;
	[sflag:s22] =	ssyncset.done $0x0  }
0xa0: {  	[sflag:s22] =	ssyncadd.s32 s4;
	_ =	sdelay $0x1  }
0xa1: {  	s23 =	simm.s32 $0x1B8B  }
0xa2: {  	_ =	swait.ge [sflag:s23], $0x1  }
0xa3: {  	[sflag:s23] =	ssyncset.done $0x0  }
0xa4: {  	s25 =	simm.s32 $0x1B8E;
	s24 =	sld [smem:$0x3FFE];
	[sflag:s23] =	ssyncadd.s32 $0xFFFFFFFF  }
0xa5: {  	s26 =	simm.s32 $execute0_lowered;
	[smem:$0x3FD2] =	sst s25  }
0xa6: {  	s5 =	sshll.u32 s26, $0x1;
	_ =	strace $0x80000046;
	[dreg:$0x1] =	wrdreg $0xFFFFFFFF  }
0xa7: {  	s28 =	simm.s32 $_size_execute0_lowered;
	s3 =	sadd.s32 s3, s5;
	[dreg:$0x0] =	wrdreg $0x0  }
0xa8: {  	s5 =	sshll.u32 s28, $0x1;
	[dreg:$0x2] =	wrdreg s3  }
0xa9: {  	[dreg:$0x3] =	wrdreg s5  }
0xaa: {  	[dreg:$0x4] =	wrdreg $0xC0  }
0xab: {  	_ =	task [dreg:s7], $0x5FFFF  }
0xac: {  	[dreg:$0x1] =	wrdreg $0xFFFFFFFF  }
0xad: {  	[dreg:$0x0] =	wrdreg $0x60  }
0xae: {  	[dreg:$0x2] =	wrdreg s2  }
0xaf: {  	[dreg:$0x3] =	wrdreg s24  }
0xb0: {  	[dreg:$0x4] =	wrdreg $0x9  }
0xb1: {  	_ =	task.clear_ibuf [dreg:s7], $0x5FFFF;
	_ =	strace $0x90000046  }
0xb2: {  	s29 =	simm.s32 $0x9;
	_ =	strace $0x80000048  }
0xb3: {  	_ =	swait.ge [sflag:s29], $0x1  }
0xb4: {  	[sflag:s29] =	ssyncadd.s32 $0xFFFFFFFF  }
0xb5: {  	_ =	strace $0x90000048  }
0xb6: {  	_ =	sfence  }
0xb7: {  	s30 =	sld [smem:$0x0];
	_ =	sdelay $0x2  }
0xb8: {  	s31 =	sshll.u32 s1, $0xD;
	s1 =	sshrl.u32 s1, $0x2  }
0xb9: {  	s3 =	sand.u32 $0x4000, s31;
	s1 =	sadd.s32 s1, s30  }
0xba: {  	s0 =	sor.u32 s3, s0;
	s1 =	sshll.u32 s1, $0x11  }
0xbb: {  	s0 =	sor.u32 s1, s0  }
0xbc: {  	s0 =	sadd.s32 $0x8F2B, s0  }
0xbd: {  	[sflag:s0] =	ssyncadd.remote.s32 $0x1  }
0xbe: {  	_ =	sfence.sel $0xFFFF  }
0xbf: {  	[dreg:$0x0] =	wrdreg $0xFFFFFFFF;
	(pc) =	sbr.abs _section_cstart, $3  }
0xc0: {  	[dreg:$0x1] =	wrdreg $0xFFFFFFFF  }
0xc1: {  	_ =	task.clear_ibuf [dreg:s7], $0x2FFFF;
	_ =	strace $0x9FFFFFFF  }
0xc2: {  	(tm) =	ssettm $0x7FFFFFFF  }
0xc3: {  	_ =	shalt  }
tec
execute0_lowered:
.L_overlay_start_1:
0x0: {  	(tag) =	ssettag $0x1  }
0x1: {  	s1 =	rddreg [dreg:$0x0]  }
0x2: {  	s10 =	rddreg [dreg:$0x1]  }
0x3: {  	s0 =	rddreg [dreg:$0x2];
	s2 =	simm.s32 $0x0;
	s3 =	srdreg.scid  }
0x4: {  	s13 =	simm.s32 $0x80;
	s14 =	simm.s32 $0x100;
	s15 =	simm.s32 $0x900  }
0x5: {  	s16 =	simm.s32 $0x1100;
	s17 =	simm.s32 $0x1900;
	s18 =	simm.s32 $0x2100  }
0x6: {  	s19 =	simm.s32 $0x2900;
	s20 =	simm.s32 $0x3100;
	s21 =	simm.s32 $0x3900  }
0x7: {  	s22 =	simm.s32 $0x4100;
	s23 =	simm.s32 $0x4900;
	s24 =	simm.s32 $0x5100  }
0x8: {  	s25 =	simm.s32 $0x5900;
	s26 =	simm.s32 $0x6100;
	s28 =	simm.s32 $0x6900  }
0x9: {  	s29 =	simm.s32 $0x7100;
	s30 =	simm.s32 $0x7900;
	s31 =	simm.s32 $0x1  }
0xa: {  	[smem:$0x7FF] =	sst s2;
	s4 =	sand.u32 $0x1, s3;
	s9 =	sadd.s32 $0x200, s10  }
0xb: {  	s3 =	stileid.u32;
	_ =	strace $0x80000047;
	s5 =	ssub.s32 $0x2, s4  }
0xc: {  	s7 =	sshll.u32 s3, $0x5;
	s8 =	sshll.u32 s4, $0x4;
	s4 =	sadd.s32 $0x400, s10  }
0xd: {  	s6 =	sshrl.u32 s5, $0x1;
	s7 =	sor.u32 s8, s7;
	s8 =	sadd.s32 $0x500, s10  }
0xe: {  	v2 =	vlaneseq.u32;
	s11 =	ssub.s32 s5, s6;
	s5 =	sadd.s32 s9, s7;
	s12 =	sor.u32 $0x8, s7  }
0xf: {  	vm0 =	vmmov $0xffff;
	v1 =	vshrl.u32 v2, $0x3;
	s6 =	sadd.s32 s10, s7;
	s7 =	sadd.s32 $0x100, s1;
	s9 =	sadd.s32 s9, s12  }
0x10: {  	v0 =	vand.u32 $0x7, v2;
	v2 =	vor.u32 $0x8, v2;
	v1 =	vmul.u32 $0x8, v1;
	s10 =	sadd.s32 s10, s12;
	s11 =	smax.u32 s11, $0x1;
	s12 =	simm.s32 $0x2  }
.LBB2_1:
0x11: {  	[tilespmem:s2], [sflag:$0x2] =	stream.linear.gather [hbm4b:s5+s2], $0x40, $0x38;
	[tilespmem:$0x8100] =	vst v63  }
0x12: {  	_ =	swait.ge [sflag:s12], $0x40  }
0x13: {  	[sflag:s12] =	ssyncset.done $0x0  }
0x14: {  	[sflag:s12] =	ssyncadd.s32 $0xFFFFFFC0  }
0x15: {  	[tilespmem:s13], [sflag:$0x2] =	stream.linear.gather [hbm4b:s6+s2], $0x40, $0x38;
	[tilespmem:$0x8100] =	vst v63  }
0x16: {  	_ =	swait.ge [sflag:s12], $0x40  }
0x17: {  	[sflag:s12] =	ssyncset.done $0x0  }
0x18: {  	[sflag:s12] =	ssyncadd.s32 $0xFFFFFFC0  }
0x19: {  	v3 =	vld [tilespmem:$0x0];
	_ =	sdelay $0x4  }
0x1a: {  	v4 =	vshll.u32 v3, $0x2  }
0x1b: {  	v3 =	vand.u32 $0x7, v3;
	v4 =	vand.u32 $0xFFFFFFE0, v4  }
0x1c: {  	v3 =	vor.u32 v3, v4  }
0x1d: {  	v4 =	vperm.xlane v3, v0;
	_ =	sdelay $0x1  }
0x1e: {  	v4 =	vadd.s32 v1, v4;
	_ =	sdelay $0x1  }
0x1f: {  	v3 =	vperm.xlane v3, v2;
	_ =	sdelay $0x1  }
0x20: {  	v3 =	vadd.s32 v1, v3  }
0x21: {  	[tilespmem:s14], [sflag:$0x1] =	stream.indirect_vreg.gather [hbm4b:s1+s2], $0x80, v4, vm0, $0xb8;
	[tilespmem:$0x8100] =	vst v63  }
0x22: {  	_ = 	snop  }
0x23: {  	[tilespmem:s15], [sflag:$0x1] =	stream.indirect_vreg.gather [hbm4b:s7+s2], $0x80, v4, vm0, $0xb8;
	[tilespmem:$0x8100] =	vst v63  }
0x24: {  	_ = 	snop  }
0x25: {  	[tilespmem:s16], [sflag:$0x1] =	stream.indirect_vreg.gather [hbm4b:s1+s2], $0x80, v3, vm0, $0xb8;
	[tilespmem:$0x8100] =	vst v63  }
0x26: {  	_ = 	snop  }
0x27: {  	[tilespmem:s17], [sflag:$0x1] =	stream.indirect_vreg.gather [hbm4b:s7+s2], $0x80, v3, vm0, $0xb8;
	[tilespmem:$0x8100] =	vst v63  }
0x28: {  	v3 =	vld [tilespmem:$0x10];
	_ =	sdelay $0x4  }
0x29: {  	v49 =	vshll.u32 v3, $0x2  }
0x2a: {  	v3 =	vand.u32 $0x7, v3;
	v4 =	vand.u32 $0xFFFFFFE0, v49  }
0x2b: {  	v3 =	vor.u32 v3, v4  }
0x2c: {  	v4 =	vperm.xlane v3, v0;
	_ =	sdelay $0x1  }
0x2d: {  	v4 =	vadd.s32 v1, v4;
	_ =	sdelay $0x1  }
0x2e: {  	v3 =	vperm.xlane v3, v2;
	_ =	sdelay $0x1  }
0x2f: {  	v3 =	vadd.s32 v1, v3  }
0x30: {  	[tilespmem:s18], [sflag:$0x1] =	stream.indirect_vreg.gather [hbm4b:s1+s2], $0x80, v4, vm0, $0xb8;
	[tilespmem:$0x8100] =	vst v63  }
0x31: {  	_ = 	snop  }
0x32: {  	[tilespmem:s19], [sflag:$0x1] =	stream.indirect_vreg.gather [hbm4b:s7+s2], $0x80, v4, vm0, $0xb8;
	[tilespmem:$0x8100] =	vst v63  }
0x33: {  	_ = 	snop  }
0x34: {  	[tilespmem:s20], [sflag:$0x1] =	stream.indirect_vreg.gather [hbm4b:s1+s2], $0x80, v3, vm0, $0xb8;
	[tilespmem:$0x8100] =	vst v63  }
0x35: {  	_ = 	snop  }
0x36: {  	[tilespmem:s21], [sflag:$0x1] =	stream.indirect_vreg.gather [hbm4b:s7+s2], $0x80, v3, vm0, $0xb8;
	[tilespmem:$0x8100] =	vst v63  }
0x37: {  	v3 =	vld [tilespmem:$0x20];
	_ =	sdelay $0x4  }
0x38: {  	v50 =	vshll.u32 v3, $0x2  }
0x39: {  	v3 =	vand.u32 $0x7, v3;
	v4 =	vand.u32 $0xFFFFFFE0, v50  }
0x3a: {  	v3 =	vor.u32 v3, v4  }
0x3b: {  	v4 =	vperm.xlane v3, v0;
	_ =	sdelay $0x1  }
0x3c: {  	v4 =	vadd.s32 v1, v4;
	_ =	sdelay $0x1  }
0x3d: {  	v3 =	vperm.xlane v3, v2;
	_ =	sdelay $0x1  }
0x3e: {  	v3 =	vadd.s32 v1, v3  }
0x3f: {  	[tilespmem:s22], [sflag:$0x1] =	stream.indirect_vreg.gather [hbm4b:s1+s2], $0x80, v4, vm0, $0xb8;
	[tilespmem:$0x8100] =	vst v63  }
0x40: {  	_ = 	snop  }
0x41: {  	[tilespmem:s23], [sflag:$0x1] =	stream.indirect_vreg.gather [hbm4b:s7+s2], $0x80, v4, vm0, $0xb8;
	[tilespmem:$0x8100] =	vst v63  }
0x42: {  	_ = 	snop  }
0x43: {  	[tilespmem:s24], [sflag:$0x1] =	stream.indirect_vreg.gather [hbm4b:s1+s2], $0x80, v3, vm0, $0xb8;
	[tilespmem:$0x8100] =	vst v63  }
0x44: {  	_ = 	snop  }
0x45: {  	[tilespmem:s25], [sflag:$0x1] =	stream.indirect_vreg.gather [hbm4b:s7+s2], $0x80, v3, vm0, $0xb8;
	[tilespmem:$0x8100] =	vst v63  }
0x46: {  	v3 =	vld [tilespmem:$0x30];
	_ =	sdelay $0x4  }
0x47: {  	v51 =	vshll.u32 v3, $0x2  }
0x48: {  	v3 =	vand.u32 $0x7, v3;
	v4 =	vand.u32 $0xFFFFFFE0, v51  }
0x49: {  	v3 =	vor.u32 v3, v4  }
0x4a: {  	v4 =	vperm.xlane v3, v0;
	_ =	sdelay $0x1  }
0x4b: {  	v4 =	vadd.s32 v1, v4;
	_ =	sdelay $0x1  }
0x4c: {  	v3 =	vperm.xlane v3, v2;
	_ =	sdelay $0x1  }
0x4d: {  	v3 =	vadd.s32 v1, v3  }
0x4e: {  	[tilespmem:s26], [sflag:$0x1] =	stream.indirect_vreg.gather [hbm4b:s1+s2], $0x80, v4, vm0, $0xb8;
	[tilespmem:$0x8100] =	vst v63  }
0x4f: {  	_ = 	snop  }
0x50: {  	[tilespmem:s28], [sflag:$0x1] =	stream.indirect_vreg.gather [hbm4b:s7+s2], $0x80, v4, vm0, $0xb8;
	[tilespmem:$0x8100] =	vst v63  }
0x51: {  	_ = 	snop  }
0x52: {  	[tilespmem:s29], [sflag:$0x1] =	stream.indirect_vreg.gather [hbm4b:s1+s2], $0x80, v3, vm0, $0xb8;
	[tilespmem:$0x8100] =	vst v63  }
0x53: {  	_ = 	snop  }
0x54: {  	[tilespmem:s30], [sflag:$0x1] =	stream.indirect_vreg.gather [hbm4b:s7+s2], $0x80, v3, vm0, $0xb8;
	[tilespmem:$0x8100] =	vst v63  }
0x55: {  	_ =	swait.ge [sflag:s31], $0x8000  }
0x56: {  	[sflag:s31] =	ssyncset.done $0x0  }
0x57: {  	[sflag:s31] =	ssyncadd.s32 $0xFFFF8000  }
0x58: {  	v3 =	vld [tilespmem:$0x80];
	_ =	sdelay $0x4  }
0x59: {  	v52 =	vshll.u32 v3, $0x2  }
0x5a: {  	v3 =	vand.u32 $0x7, v3;
	v4 =	vand.u32 $0xFFFFFFE0, v52  }
0x5b: {  	v3 =	vor.u32 v3, v4  }
0x5c: {  	v4 =	vperm.xlane v3, v0;
	_ =	sdelay $0x1  }
0x5d: {  	v4 =	vadd.s32 v1, v4;
	_ =	sdelay $0x1  }
0x5e: {  	v3 =	vperm.xlane v3, v2;
	_ =	sdelay $0x1  }
0x5f: {  	v3 =	vadd.s32 v1, v3  }
0x60: {  	[hbm4b:s4+s2] =	stream.indirect_vreg.scatter [tilespmem:s14], [sflag:$0x1], $0x80, v4, vm0, $0xb8;
	[tilespmem:$0x8100] =	vst v63  }
0x61: {  	_ = 	snop  }
0x62: {  	[hbm4b:s8+s2] =	stream.indirect_vreg.scatter [tilespmem:s15], [sflag:$0x1], $0x80, v4, vm0, $0xb8;
	[tilespmem:$0x8100] =	vst v63  }
0x63: {  	_ = 	snop  }
0x64: {  	[hbm4b:s4+s2] =	stream.indirect_vreg.scatter [tilespmem:s16], [sflag:$0x1], $0x80, v3, vm0, $0xb8;
	[tilespmem:$0x8100] =	vst v63  }
0x65: {  	_ = 	snop  }
0x66: {  	[hbm4b:s8+s2] =	stream.indirect_vreg.scatter [tilespmem:s17], [sflag:$0x1], $0x80, v3, vm0, $0xb8;
	[tilespmem:$0x8100] =	vst v63  }
0x67: {  	v3 =	vld [tilespmem:$0x90];
	_ =	sdelay $0x4  }
0x68: {  	v53 =	vshll.u32 v3, $0x2  }
0x69: {  	v3 =	vand.u32 $0x7, v3;
	v4 =	vand.u32 $0xFFFFFFE0, v53  }
0x6a: {  	v3 =	vor.u32 v3, v4  }
0x6b: {  	v4 =	vperm.xlane v3, v0;
	_ =	sdelay $0x1  }
0x6c: {  	v4 =	vadd.s32 v1, v4;
	_ =	sdelay $0x1  }
0x6d: {  	v3 =	vperm.xlane v3, v2;
	_ =	sdelay $0x1  }
0x6e: {  	v3 =	vadd.s32 v1, v3  }
0x6f: {  	[hbm4b:s4+s2] =	stream.indirect_vreg.scatter [tilespmem:s18], [sflag:$0x1], $0x80, v4, vm0, $0xb8;
	[tilespmem:$0x8100] =	vst v63  }
0x70: {  	_ = 	snop  }
0x71: {  	[hbm4b:s8+s2] =	stream.indirect_vreg.scatter [tilespmem:s19], [sflag:$0x1], $0x80, v4, vm0, $0xb8;
	[tilespmem:$0x8100] =	vst v63  }
0x72: {  	_ = 	snop  }
0x73: {  	[hbm4b:s4+s2] =	stream.indirect_vreg.scatter [tilespmem:s20], [sflag:$0x1], $0x80, v3, vm0, $0xb8;
	[tilespmem:$0x8100] =	vst v63  }
0x74: {  	_ = 	snop  }
0x75: {  	[hbm4b:s8+s2] =	stream.indirect_vreg.scatter [tilespmem:s21], [sflag:$0x1], $0x80, v3, vm0, $0xb8;
	[tilespmem:$0x8100] =	vst v63  }
0x76: {  	v3 =	vld [tilespmem:$0xA0];
	_ =	sdelay $0x4  }
0x77: {  	v54 =	vshll.u32 v3, $0x2  }
0x78: {  	v3 =	vand.u32 $0x7, v3;
	v4 =	vand.u32 $0xFFFFFFE0, v54  }
0x79: {  	v3 =	vor.u32 v3, v4  }
0x7a: {  	v4 =	vperm.xlane v3, v0;
	_ =	sdelay $0x1  }
0x7b: {  	v4 =	vadd.s32 v1, v4;
	_ =	sdelay $0x1  }
0x7c: {  	v3 =	vperm.xlane v3, v2;
	_ =	sdelay $0x1  }
0x7d: {  	v3 =	vadd.s32 v1, v3  }
0x7e: {  	[hbm4b:s4+s2] =	stream.indirect_vreg.scatter [tilespmem:s22], [sflag:$0x1], $0x80, v4, vm0, $0xb8;
	[tilespmem:$0x8100] =	vst v63  }
0x7f: {  	_ = 	snop  }
0x80: {  	[hbm4b:s8+s2] =	stream.indirect_vreg.scatter [tilespmem:s23], [sflag:$0x1], $0x80, v4, vm0, $0xb8;
	[tilespmem:$0x8100] =	vst v63  }
0x81: {  	_ = 	snop  }
0x82: {  	[hbm4b:s4+s2] =	stream.indirect_vreg.scatter [tilespmem:s24], [sflag:$0x1], $0x80, v3, vm0, $0xb8;
	[tilespmem:$0x8100] =	vst v63  }
0x83: {  	_ = 	snop  }
0x84: {  	[hbm4b:s8+s2] =	stream.indirect_vreg.scatter [tilespmem:s25], [sflag:$0x1], $0x80, v3, vm0, $0xb8;
	[tilespmem:$0x8100] =	vst v63  }
0x85: {  	v3 =	vld [tilespmem:$0xB0];
	_ =	sdelay $0x4  }
0x86: {  	v55 =	vshll.u32 v3, $0x2  }
0x87: {  	v3 =	vand.u32 $0x7, v3;
	v4 =	vand.u32 $0xFFFFFFE0, v55  }
0x88: {  	v3 =	vor.u32 v3, v4  }
0x89: {  	v4 =	vperm.xlane v3, v0;
	_ =	sdelay $0x1  }
0x8a: {  	v4 =	vadd.s32 v1, v4;
	_ =	sdelay $0x1  }
0x8b: {  	v3 =	vperm.xlane v3, v2;
	_ =	sdelay $0x1  }
0x8c: {  	v3 =	vadd.s32 v1, v3  }
0x8d: {  	[hbm4b:s4+s2] =	stream.indirect_vreg.scatter [tilespmem:s26], [sflag:$0x1], $0x80, v4, vm0, $0xb8;
	[tilespmem:$0x8100] =	vst v63  }
0x8e: {  	_ = 	snop  }
0x8f: {  	[hbm4b:s8+s2] =	stream.indirect_vreg.scatter [tilespmem:s28], [sflag:$0x1], $0x80, v4, vm0, $0xb8;
	[tilespmem:$0x8100] =	vst v63  }
0x90: {  	_ = 	snop  }
0x91: {  	[hbm4b:s4+s2] =	stream.indirect_vreg.scatter [tilespmem:s29], [sflag:$0x1], $0x80, v3, vm0, $0xb8;
	[tilespmem:$0x8100] =	vst v63  }
0x92: {  	_ = 	snop  }
0x93: {  	[hbm4b:s8+s2] =	stream.indirect_vreg.scatter [tilespmem:s30], [sflag:$0x1], $0x80, v3, vm0, $0xb8;
	[tilespmem:$0x8100] =	vst v63  }
0x94: {  	_ =	swait.ge [sflag:s31], $0x8000  }
0x95: {  	[sflag:s31] =	ssyncset.done $0x0  }
0x96: {  	[sflag:s31] =	ssyncadd.s32 $0xFFFF8000  }
0x97: {  	[tilespmem:s2], [sflag:$0x2] =	stream.linear.gather [hbm4b:s9+s2], $0x40, $0x38;
	[tilespmem:$0x8100] =	vst v63  }
0x98: {  	_ =	swait.ge [sflag:s12], $0x40  }
0x99: {  	[sflag:s12] =	ssyncset.done $0x0  }
0x9a: {  	[sflag:s12] =	ssyncadd.s32 $0xFFFFFFC0  }
0x9b: {  	[tilespmem:s13], [sflag:$0x2] =	stream.linear.gather [hbm4b:s10+s2], $0x40, $0x38;
	[tilespmem:$0x8100] =	vst v63  }
0x9c: {  	_ =	swait.ge [sflag:s12], $0x40  }
0x9d: {  	[sflag:s12] =	ssyncset.done $0x0  }
0x9e: {  	[sflag:s12] =	ssyncadd.s32 $0xFFFFFFC0  }
0x9f: {  	v3 =	vld [tilespmem:$0x0];
	_ =	sdelay $0x4  }
0xa0: {  	v56 =	vshll.u32 v3, $0x2  }
0xa1: {  	v3 =	vand.u32 $0x7, v3;
	v4 =	vand.u32 $0xFFFFFFE0, v56  }
0xa2: {  	v3 =	vor.u32 v3, v4  }
0xa3: {  	v4 =	vperm.xlane v3, v0;
	_ =	sdelay $0x1  }
0xa4: {  	v4 =	vadd.s32 v1, v4;
	_ =	sdelay $0x1  }
0xa5: {  	v3 =	vperm.xlane v3, v2;
	_ =	sdelay $0x1  }
0xa6: {  	v3 =	vadd.s32 v1, v3  }
0xa7: {  	[tilespmem:s14], [sflag:$0x1] =	stream.indirect_vreg.gather [hbm4b:s1+s2], $0x80, v4, vm0, $0xb8;
	[tilespmem:$0x8100] =	vst v63  }
0xa8: {  	_ = 	snop  }
0xa9: {  	[tilespmem:s15], [sflag:$0x1] =	stream.indirect_vreg.gather [hbm4b:s7+s2], $0x80, v4, vm0, $0xb8;
	[tilespmem:$0x8100] =	vst v63  }
0xaa: {  	_ = 	snop  }
0xab: {  	[tilespmem:s16], [sflag:$0x1] =	stream.indirect_vreg.gather [hbm4b:s1+s2], $0x80, v3, vm0, $0xb8;
	[tilespmem:$0x8100] =	vst v63  }
0xac: {  	_ = 	snop  }
0xad: {  	[tilespmem:s17], [sflag:$0x1] =	stream.indirect_vreg.gather [hbm4b:s7+s2], $0x80, v3, vm0, $0xb8;
	[tilespmem:$0x8100] =	vst v63  }
0xae: {  	v3 =	vld [tilespmem:$0x10];
	_ =	sdelay $0x4  }
0xaf: {  	v57 =	vshll.u32 v3, $0x2  }
0xb0: {  	v3 =	vand.u32 $0x7, v3;
	v4 =	vand.u32 $0xFFFFFFE0, v57  }
0xb1: {  	v3 =	vor.u32 v3, v4  }
0xb2: {  	v4 =	vperm.xlane v3, v0;
	_ =	sdelay $0x1  }
0xb3: {  	v4 =	vadd.s32 v1, v4;
	_ =	sdelay $0x1  }
0xb4: {  	v3 =	vperm.xlane v3, v2;
	_ =	sdelay $0x1  }
0xb5: {  	v3 =	vadd.s32 v1, v3  }
0xb6: {  	[tilespmem:s18], [sflag:$0x1] =	stream.indirect_vreg.gather [hbm4b:s1+s2], $0x80, v4, vm0, $0xb8;
	[tilespmem:$0x8100] =	vst v63  }
0xb7: {  	_ = 	snop  }
0xb8: {  	[tilespmem:s19], [sflag:$0x1] =	stream.indirect_vreg.gather [hbm4b:s7+s2], $0x80, v4, vm0, $0xb8;
	[tilespmem:$0x8100] =	vst v63  }
0xb9: {  	_ = 	snop  }
0xba: {  	[tilespmem:s20], [sflag:$0x1] =	stream.indirect_vreg.gather [hbm4b:s1+s2], $0x80, v3, vm0, $0xb8;
	[tilespmem:$0x8100] =	vst v63  }
0xbb: {  	_ = 	snop  }
0xbc: {  	[tilespmem:s21], [sflag:$0x1] =	stream.indirect_vreg.gather [hbm4b:s7+s2], $0x80, v3, vm0, $0xb8;
	[tilespmem:$0x8100] =	vst v63  }
0xbd: {  	v3 =	vld [tilespmem:$0x20];
	_ =	sdelay $0x4  }
0xbe: {  	v58 =	vshll.u32 v3, $0x2  }
0xbf: {  	v3 =	vand.u32 $0x7, v3;
	v4 =	vand.u32 $0xFFFFFFE0, v58  }
0xc0: {  	v3 =	vor.u32 v3, v4  }
0xc1: {  	v4 =	vperm.xlane v3, v0;
	_ =	sdelay $0x1  }
0xc2: {  	v4 =	vadd.s32 v1, v4;
	_ =	sdelay $0x1  }
0xc3: {  	v3 =	vperm.xlane v3, v2;
	_ =	sdelay $0x1  }
0xc4: {  	v3 =	vadd.s32 v1, v3  }
0xc5: {  	[tilespmem:s22], [sflag:$0x1] =	stream.indirect_vreg.gather [hbm4b:s1+s2], $0x80, v4, vm0, $0xb8;
	[tilespmem:$0x8100] =	vst v63  }
0xc6: {  	_ = 	snop  }
0xc7: {  	[tilespmem:s23], [sflag:$0x1] =	stream.indirect_vreg.gather [hbm4b:s7+s2], $0x80, v4, vm0, $0xb8;
	[tilespmem:$0x8100] =	vst v63  }
0xc8: {  	_ = 	snop  }
0xc9: {  	[tilespmem:s24], [sflag:$0x1] =	stream.indirect_vreg.gather [hbm4b:s1+s2], $0x80, v3, vm0, $0xb8;
	[tilespmem:$0x8100] =	vst v63  }
0xca: {  	_ = 	snop  }
0xcb: {  	[tilespmem:s25], [sflag:$0x1] =	stream.indirect_vreg.gather [hbm4b:s7+s2], $0x80, v3, vm0, $0xb8;
	[tilespmem:$0x8100] =	vst v63  }
0xcc: {  	v3 =	vld [tilespmem:$0x30];
	_ =	sdelay $0x4  }
0xcd: {  	v59 =	vshll.u32 v3, $0x2  }
0xce: {  	v3 =	vand.u32 $0x7, v3;
	v4 =	vand.u32 $0xFFFFFFE0, v59  }
0xcf: {  	v3 =	vor.u32 v3, v4  }
0xd0: {  	v4 =	vperm.xlane v3, v0;
	_ =	sdelay $0x1  }
0xd1: {  	v4 =	vadd.s32 v1, v4;
	_ =	sdelay $0x1  }
0xd2: {  	v3 =	vperm.xlane v3, v2;
	_ =	sdelay $0x1  }
0xd3: {  	v3 =	vadd.s32 v1, v3  }
0xd4: {  	[tilespmem:s26], [sflag:$0x1] =	stream.indirect_vreg.gather [hbm4b:s1+s2], $0x80, v4, vm0, $0xb8;
	[tilespmem:$0x8100] =	vst v63  }
0xd5: {  	_ = 	snop  }
0xd6: {  	[tilespmem:s28], [sflag:$0x1] =	stream.indirect_vreg.gather [hbm4b:s7+s2], $0x80, v4, vm0, $0xb8;
	[tilespmem:$0x8100] =	vst v63  }
0xd7: {  	_ = 	snop  }
0xd8: {  	[tilespmem:s29], [sflag:$0x1] =	stream.indirect_vreg.gather [hbm4b:s1+s2], $0x80, v3, vm0, $0xb8;
	[tilespmem:$0x8100] =	vst v63  }
0xd9: {  	_ = 	snop  }
0xda: {  	[tilespmem:s30], [sflag:$0x1] =	stream.indirect_vreg.gather [hbm4b:s7+s2], $0x80, v3, vm0, $0xb8;
	[tilespmem:$0x8100] =	vst v63  }
0xdb: {  	_ =	swait.ge [sflag:s31], $0x8000  }
0xdc: {  	[sflag:s31] =	ssyncset.done $0x0  }
0xdd: {  	[sflag:s31] =	ssyncadd.s32 $0xFFFF8000  }
0xde: {  	v3 =	vld [tilespmem:$0x80];
	_ =	sdelay $0x4  }
0xdf: {  	v60 =	vshll.u32 v3, $0x2  }
0xe0: {  	v3 =	vand.u32 $0x7, v3;
	v4 =	vand.u32 $0xFFFFFFE0, v60  }
0xe1: {  	v3 =	vor.u32 v3, v4  }
0xe2: {  	v4 =	vperm.xlane v3, v0;
	_ =	sdelay $0x1  }
0xe3: {  	v4 =	vadd.s32 v1, v4;
	_ =	sdelay $0x1  }
0xe4: {  	v3 =	vperm.xlane v3, v2;
	_ =	sdelay $0x1  }
0xe5: {  	v3 =	vadd.s32 v1, v3  }
0xe6: {  	[hbm4b:s4+s2] =	stream.indirect_vreg.scatter [tilespmem:s14], [sflag:$0x1], $0x80, v4, vm0, $0xb8;
	[tilespmem:$0x8100] =	vst v63  }
0xe7: {  	_ = 	snop  }
0xe8: {  	[hbm4b:s8+s2] =	stream.indirect_vreg.scatter [tilespmem:s15], [sflag:$0x1], $0x80, v4, vm0, $0xb8;
	[tilespmem:$0x8100] =	vst v63  }
0xe9: {  	_ = 	snop  }
0xea: {  	[hbm4b:s4+s2] =	stream.indirect_vreg.scatter [tilespmem:s16], [sflag:$0x1], $0x80, v3, vm0, $0xb8;
	[tilespmem:$0x8100] =	vst v63  }
0xeb: {  	_ = 	snop  }
0xec: {  	[hbm4b:s8+s2] =	stream.indirect_vreg.scatter [tilespmem:s17], [sflag:$0x1], $0x80, v3, vm0, $0xb8;
	[tilespmem:$0x8100] =	vst v63  }
0xed: {  	v3 =	vld [tilespmem:$0x90];
	_ =	sdelay $0x4  }
0xee: {  	v61 =	vshll.u32 v3, $0x2  }
0xef: {  	v3 =	vand.u32 $0x7, v3;
	v4 =	vand.u32 $0xFFFFFFE0, v61  }
0xf0: {  	v3 =	vor.u32 v3, v4  }
0xf1: {  	v4 =	vperm.xlane v3, v0;
	_ =	sdelay $0x1  }
0xf2: {  	v4 =	vadd.s32 v1, v4;
	_ =	sdelay $0x1  }
0xf3: {  	v3 =	vperm.xlane v3, v2;
	_ =	sdelay $0x1  }
0xf4: {  	v3 =	vadd.s32 v1, v3  }
0xf5: {  	[hbm4b:s4+s2] =	stream.indirect_vreg.scatter [tilespmem:s18], [sflag:$0x1], $0x80, v4, vm0, $0xb8;
	[tilespmem:$0x8100] =	vst v63  }
0xf6: {  	_ = 	snop  }
0xf7: {  	[hbm4b:s8+s2] =	stream.indirect_vreg.scatter [tilespmem:s19], [sflag:$0x1], $0x80, v4, vm0, $0xb8;
	[tilespmem:$0x8100] =	vst v63  }
0xf8: {  	_ = 	snop  }
0xf9: {  	[hbm4b:s4+s2] =	stream.indirect_vreg.scatter [tilespmem:s20], [sflag:$0x1], $0x80, v3, vm0, $0xb8;
	[tilespmem:$0x8100] =	vst v63  }
0xfa: {  	_ = 	snop  }
0xfb: {  	[hbm4b:s8+s2] =	stream.indirect_vreg.scatter [tilespmem:s21], [sflag:$0x1], $0x80, v3, vm0, $0xb8;
	[tilespmem:$0x8100] =	vst v63  }
0xfc: {  	v3 =	vld [tilespmem:$0xA0];
	_ =	sdelay $0x4  }
0xfd: {  	v62 =	vshll.u32 v3, $0x2  }
0xfe: {  	v3 =	vand.u32 $0x7, v3;
	v4 =	vand.u32 $0xFFFFFFE0, v62  }
0xff: {  	v3 =	vor.u32 v3, v4  }
0x100: {  	v4 =	vperm.xlane v3, v0;
	_ =	sdelay $0x1  }
0x101: {  	v4 =	vadd.s32 v1, v4;
	_ =	sdelay $0x1  }
0x102: {  	v3 =	vperm.xlane v3, v2;
	_ =	sdelay $0x1  }
0x103: {  	v3 =	vadd.s32 v1, v3  }
0x104: {  	[hbm4b:s4+s2] =	stream.indirect_vreg.scatter [tilespmem:s22], [sflag:$0x1], $0x80, v4, vm0, $0xb8;
	[tilespmem:$0x8100] =	vst v63  }
0x105: {  	_ = 	snop  }
0x106: {  	[hbm4b:s8+s2] =	stream.indirect_vreg.scatter [tilespmem:s23], [sflag:$0x1], $0x80, v4, vm0, $0xb8;
	[tilespmem:$0x8100] =	vst v63  }
0x107: {  	_ = 	snop  }
0x108: {  	[hbm4b:s4+s2] =	stream.indirect_vreg.scatter [tilespmem:s24], [sflag:$0x1], $0x80, v3, vm0, $0xb8;
	[tilespmem:$0x8100] =	vst v63  }
0x109: {  	_ = 	snop  }
0x10a: {  	[hbm4b:s8+s2] =	stream.indirect_vreg.scatter [tilespmem:s25], [sflag:$0x1], $0x80, v3, vm0, $0xb8;
	[tilespmem:$0x8100] =	vst v63  }
0x10b: {  	v3 =	vld [tilespmem:$0xB0];
	_ =	sdelay $0x4  }
0x10c: {  	v63 =	vshll.u32 v3, $0x2  }
0x10d: {  	v3 =	vand.u32 $0x7, v3;
	v4 =	vand.u32 $0xFFFFFFE0, v63  }
0x10e: {  	v3 =	vor.u32 v3, v4  }
0x10f: {  	v4 =	vperm.xlane v3, v0;
	_ =	sdelay $0x1  }
0x110: {  	v4 =	vadd.s32 v1, v4;
	_ =	sdelay $0x1  }
0x111: {  	v3 =	vperm.xlane v3, v2;
	_ =	sdelay $0x1  }
0x112: {  	v3 =	vadd.s32 v1, v3  }
0x113: {  	[hbm4b:s4+s2] =	stream.indirect_vreg.scatter [tilespmem:s26], [sflag:$0x1], $0x80, v4, vm0, $0xb8;
	[tilespmem:$0x8100] =	vst v63  }
0x114: {  	_ = 	snop  }
0x115: {  	[hbm4b:s8+s2] =	stream.indirect_vreg.scatter [tilespmem:s28], [sflag:$0x1], $0x80, v4, vm0, $0xb8;
	[tilespmem:$0x8100] =	vst v63  }
0x116: {  	p0 =	sne.s32 s11, $0x1  }
0x117: {  	[hbm4b:s4+s2] =	stream.indirect_vreg.scatter [tilespmem:s29], [sflag:$0x1], $0x80, v3, vm0, $0xb8;
	[tilespmem:$0x8100] =	vst v63  }
.Ltmp0:
0x118: {  	_ = 	snop;
	(pc) =	sbr.rel @p0 .LBB2_1-.Ltmp0, $4  }
0x119: {  	[hbm4b:s8+s2] =	stream.indirect_vreg.scatter [tilespmem:s30], [sflag:$0x1], $0x80, v3, vm0, $0xb8;
	[tilespmem:$0x8100] =	vst v63  }
0x11a: {  	_ =	swait.ge [sflag:s31], $0x8000  }
0x11b: {  	[sflag:s31] =	ssyncset.done $0x0  }
0x11c: {  	s11 =	sadd.s32 $0xFFFFFFFF, s11;
	[sflag:s31] =	ssyncadd.s32 $0xFFFF8000  }
0x11d: {  	_ =	sfence.sel $0x180000  }
0x11e: {  	[bflag:$0x0] =	sbarrier.arrive $0xFFFF  }
0x11f: {  	p0 =	sne.s32 s3, $0x0;
	_ =	strace $0x90000047  }
0x120: {  	s0 =	sadd.s32 @!p0 $0x100000, s0;
	[bflag:$0x2] =	sbarrier.arrive $0xFFFF  }
0x121: {  	[sflag:s0] =	ssyncadd.tile.s32 @!p0 $0x1;
	_ =	shalt  }
.Lfunc_end2:
_tile_overlayer_lowered:
.L_overlay_start_2:
0x122: {  	(tag) =	ssettag $0x2  }
0x123: {  	s0 =	rddreg [dreg:$0x0];
	s2 =	stileid.u32  }
0x124: {  	s1 =	rddreg [dreg:$0x1];
	p0 =	sne.s32 s2, $0x0  }
0x125: {  	s3 =	rddreg [dreg:$0x2];
	[bflag:$0x3] =	sbarrier.arrive $0xFFFF;
	s2 =	simm.s32 @!p0 $0x1C02  }
0x126: {  	[timem:s3], [sflag:s2] =	dma.local @!p0 [hbm:s0], s1  }
0x127: {  	s0 =	simm.s32 @!p0 $0x2  }
0x128: {  	_ =	swait.ge @!p0 [sflag:s0], s1  }
0x129: {  	s1 =	ssub.s32 @!p0 $0x0, s1;
	[sflag:s0] =	ssyncset.done @!p0 $0x0  }
0x12a: {  	[sflag:s0] =	ssyncadd.s32 @!p0 s1  }
0x12b: {  	[bflag:$0x3] =	sbarrier.arrive $0xFFFF  }
0x12c: {  	_ =	shalt  }

// kernel: kernel.9.cloned.1.call-start
scs
__scs_entry_jumppad:
0x0: {  	(pc) =	sbr.rel $0x88, $3  }
0x1: {  	(tag) =	ssettag $0x0;
	lr =	simm.s32 $0x1  }
0x2: {  	[smem:$0x3F9C] =	sst lr;
	_ =	strace $0xD0000000  }
0x3: {  	_ = 	snop  }
0x4: {  	_ = 	snop  }
0x5: {  	_ = 	snop  }
0x6: {  	_ = 	snop  }
0x7: {  	_ = 	snop  }
__scs_overlays_trampoline_lowered:
0x8: {  	[smem:$0x3FAB] =	sst s0  }
0x9: {  	[smem:$0x3FAC] =	sst s1  }
0xa: {  	[smem:$0x3FAD] =	sst s2  }
0xb: {  	[smem:$0x3FAE] =	sst s3  }
0xc: {  	[smem:$0x3FAF] =	sst s4  }
0xd: {  	[smem:$0x3FB0] =	sst s5  }
0xe: {  	[smem:$0x3FB1] =	sst s6  }
0xf: {  	[smem:$0x3FB2] =	sst s7  }
0x10: {  	[smem:$0x3FB3] =	sst s8  }
0x11: {  	[smem:$0x3FB4] =	sst s9;
	s0 =	simm.s32 @!p0 $0x0  }
0x12: {  	s1 =	sld [smem:$0x3F9A];
	s0 =	simm.s32 @p0 $0x1  }
0x13: {  	[smem:$0x3FB5] =	sst s0;
	s0 =	simm.s32 @!p1 $0x0  }
0x14: {  	s2 =	sld [smem:$0x3F99];
	s0 =	simm.s32 @p1 $0x1  }
0x15: {  	[smem:$0x3FB6] =	sst s0;
	s0 =	simm.s32 @!p2 $0x0  }
0x16: {  	s3 =	sld [smem:$0x3FDB];
	s0 =	simm.s32 @p2 $0x1  }
0x17: {  	s4 =	simm.s32 $0x1BF5;
	[smem:$0x3FB8] =	sst s0  }
0x18: {  	s0 =	sld [smem:$0x3F9B];
	_ =	swait.ge [sflag:s4], $0x0  }
0x19: {  	s7 =	sld [smem:$0x3F9C]  }
0x1a: {  	s8 =	sadd.s32 $0xFFFFE003, lr  }
0x1b: {  	s9 =	sadd.s32 $0xFFFFFEF7, lr;
	s5 =	simm.s32 $0xFFFFFFFF;
	p2 =	slt.u32 s8, $0xFFFFF086  }
0x1c: {  	p1 =	slt.u32 s9, $0xF7A;
	s5 =	simm.s32 @!p2 $0x0  }
0x1d: {  	s5 =	simm.s32 @p1 $0x1;
	p0 =	seq.s32 s7, s2  }
0x1e: {  	s7 =	smul.u32 @!p0 $0xF7A, s2;
	p2 =	seq.s32 @!p0 s5, $0x0  }
0x1f: {  	s9 =	smul.u32 $0xF7A, s1;
	s8 =	simm.s32 @!p0 $0x1BF5;
	p2 =	por !p2, p0  }
0x20: {  	[sflag:s8] =	ssyncset.s32 @!p0 $0xFFFFF086;
	s6 =	sadd.s32 @!p0 s3, s7;
	s7 =	simm.s32 @!p0 $0x108  }
0x21: {  	s3 =	sadd.s32 s3, s9;
	s6 =	sadd.s32 @!p0 $0x88, s6;
	s7 =	simm.s32 @p2 $0x1082  }
0x22: {  	[simem:s7], [sflag:s8] =	dma.local @!p0 [hbm:s6], $0xF7A  }
0x23: {  	s9 =	sor.u32 $0xD0000000, s2;
	s6 =	simm.s32 $0x108;
	_ =	swait.ge @!p0 [sflag:s8], $0x0  }
0x24: {  	s3 =	sadd.s32 $0x88, s3;
	s6 =	simm.s32 @!p1 $0x1082;
	[sflag:s4] =	ssyncset.s32 $0xFFFFF086  }
0x25: {  	[simem:s6], [sflag:s4] =	dma.local [hbm:s3], $0xF7A  }
0x26: {  	[smem:$0x3F9C] =	sst s1;
	(tag) =	ssettag s2;
	_ =	strace s9  }
0x27: {  	s1 =	sld [smem:$0x3FAC]  }
0x28: {  	s2 =	sld [smem:$0x3FAD]  }
0x29: {  	s4 =	sld [smem:$0x3FAF]  }
0x2a: {  	p0 =	seq.s32 s5, $0x0;
	s5 =	sld [smem:$0x3FB0]  }
0x2b: {  	s6 =	sld [smem:$0x3FB1]  }
0x2c: {  	s7 =	sld [smem:$0x3FB2]  }
0x2d: {  	s3 =	simm.s32 $0x108;
	s8 =	sld [smem:$0x3FB3]  }
0x2e: {  	s3 =	simm.s32 @!p0 $0x1082;
	s9 =	sld [smem:$0x3FB4]  }
0x2f: {  	lr =	sadd.s32 s0, s3;
	s0 =	sld [smem:$0x3FAB]  }
0x30: {  	s3 =	sld [smem:$0x3FAE]  }
0x31: {  	[smem:$0x3FB7] =	sst s10  }
0x32: {  	s10 =	sld [smem:$0x3FB5];
	_ =	sdelay $0x3  }
0x33: {  	p0 =	seq.s32 s10, $0x1;
	s10 =	sld [smem:$0x3FB7];
	_ =	sdelay $0x3  }
0x34: {  	[smem:$0x3FB7] =	sst s10  }
0x35: {  	s10 =	sld [smem:$0x3FB6];
	_ =	sdelay $0x3  }
0x36: {  	p1 =	seq.s32 s10, $0x1;
	s10 =	sld [smem:$0x3FB7];
	_ =	sdelay $0x3  }
0x37: {  	[smem:$0x3FB7] =	sst s10  }
0x38: {  	s10 =	sld [smem:$0x3FB8]  }
0x39: {  	_ = 	snop;
	(pc) =	sbr.ind lr, $3  }
0x3a: {  	_ = 	snop  }
0x3b: {  	_ = 	snop  }
0x3c: {  	p2 =	seq.s32 s10, $0x1;
	s10 =	sld [smem:$0x3FB7]  }
0x3d: {  	_ =	shalt  }
0x3e: {  	_ =	shalt  }
0x3f: {  	_ =	shalt  }
0x40: {  	_ =	shalt  }
0x41: {  	_ =	shalt  }
0x42: {  	_ =	shalt  }
0x43: {  	_ =	shalt  }
0x44: {  	_ =	shalt  }
0x45: {  	_ =	shalt  }
0x46: {  	_ =	shalt  }
0x47: {  	_ =	shalt  }
0x48: {  	_ =	shalt  }
0x49: {  	_ =	shalt  }
0x4a: {  	_ =	shalt  }
0x4b: {  	_ =	shalt  }
0x4c: {  	_ =	shalt  }
0x4d: {  	_ =	shalt  }
0x4e: {  	_ =	shalt  }
0x4f: {  	_ =	shalt  }
0x50: {  	_ =	shalt  }
0x51: {  	_ =	shalt  }
0x52: {  	_ =	shalt  }
0x53: {  	_ =	shalt  }
0x54: {  	_ =	shalt  }
0x55: {  	_ =	shalt  }
0x56: {  	_ =	shalt  }
0x57: {  	_ =	shalt  }
0x58: {  	_ =	shalt  }
0x59: {  	_ =	shalt  }
0x5a: {  	_ =	shalt  }
0x5b: {  	_ =	shalt  }
0x5c: {  	_ =	shalt  }
0x5d: {  	_ =	shalt  }
0x5e: {  	_ =	shalt  }
0x5f: {  	_ =	shalt  }
0x60: {  	_ =	shalt  }
0x61: {  	_ =	shalt  }
0x62: {  	_ =	shalt  }
0x63: {  	_ =	shalt  }
0x64: {  	_ =	shalt  }
0x65: {  	_ =	shalt  }
0x66: {  	_ =	shalt  }
0x67: {  	_ =	shalt  }
0x68: {  	_ =	shalt  }
0x69: {  	_ =	shalt  }
0x6a: {  	_ =	shalt  }
0x6b: {  	_ =	shalt  }
0x6c: {  	_ =	shalt  }
0x6d: {  	_ =	shalt  }
0x6e: {  	_ =	shalt  }
0x6f: {  	_ =	shalt  }
0x70: {  	_ =	shalt  }
0x71: {  	_ =	shalt  }
0x72: {  	_ =	shalt  }
0x73: {  	_ =	shalt  }
0x74: {  	_ =	shalt  }
0x75: {  	_ =	shalt  }
0x76: {  	_ =	shalt  }
0x77: {  	_ =	shalt  }
0x78: {  	_ =	shalt  }
0x79: {  	_ =	shalt  }
0x7a: {  	_ =	shalt  }
0x7b: {  	_ =	shalt  }
0x7c: {  	_ =	shalt  }
0x7d: {  	_ =	shalt  }
0x7e: {  	_ =	shalt  }
0x7f: {  	_ =	shalt  }
0x80: {  	_ =	shalt  }
0x81: {  	_ =	shalt  }
0x82: {  	_ =	shalt  }
0x83: {  	_ =	shalt  }
0x84: {  	_ =	shalt  }
0x85: {  	_ =	shalt  }
0x86: {  	_ =	shalt  }
0x87: {  	_ =	shalt  }
.Lfunc_end0:
.L_simem_size_0:
called_computation.1_lowered:
.L_overlay_start_0:
0x88: {  	s2 =	sld [smem:$0x3FD9]  }
0x89: {  	s3 =	sld [smem:$0x3FFE];
	_ =	sdelay $0x1  }
0x8a: {  	s1 =	srdreg.scid  }
0x8b: {  	s0 =	sand.u32 $0x1, s1  }
0x8c: {  	s17 =	sshll.u32 s0, $0xA;
	s2 =	sadd.s32 s3, s2  }
0x8d: {  	s2 =	sadd.s32 s2, s17  }
0x8e: {  	[smem:$0x3FC3] =	sst s2  }
0x8f: {  	_ = 	snop  }
0x90: {  	s2 =	sld [smem:$0x3FD0];
	(tm) =	ssettm $0x1  }
0x91: {  	s18 =	sld [smem:$0x3FFB];
	_ =	sdelay $0x3  }
0x92: {  	_ =	strace s18  }
0x93: {  	s3 =	sld [smem:$0x3FFC];
	_ =	sdelay $0x3  }
0x94: {  	_ =	strace s3  }
0x95: {  	s3 =	sld [smem:$0x3FFD];
	_ =	sdelay $0x3  }
0x96: {  	_ =	strace s3  }
0x97: {  	_ =	strace $0x8FFFFFFF  }
0x98: {  	s19 =	sld [smem:$0x3FDB];
	_ =	sdelay $0x1  }
0x99: {  	s4 =	simm.s32 $_scs_section_size  }
0x9a: {  	s5 =	simm.s32 $_size__tile_overlayer_lowered;
	s6 =	simm.s32 $_tile_overlayer_lowered  }
0x9b: {  	s22 =	simm.s32 $0x1BFF;
	s21 =	sshll.u32 s6, $0x1;
	s3 =	sadd.s32 s4, s19  }
0x9c: {  	s7 =	simm.s32 $0x0;
	s20 =	sshll.u32 s5, $0x1;
	s5 =	sadd.s32 s21, s3  }
0x9d: {  	[timem:s7], [sflag:s22] =	dma.local [hbm:s5], s20  }
0x9e: {  	_ =	swait.ge [sflag:s22], s20  }
0x9f: {  	s4 =	ssub.s32 $0x0, s20;
	[sflag:s22] =	ssyncset.done $0x0  }
0xa0: {  	[sflag:s22] =	ssyncadd.s32 s4;
	_ =	sdelay $0x1  }
0xa1: {  	s23 =	simm.s32 $0x1B8B  }
0xa2: {  	_ =	swait.ge [sflag:s23], $0x1  }
0xa3: {  	[sflag:s23] =	ssyncset.done $0x0  }
0xa4: {  	s25 =	simm.s32 $0x1B8E;
	s24 =	sld [smem:$0x3FFE];
	[sflag:s23] =	ssyncadd.s32 $0xFFFFFFFF  }
0xa5: {  	s26 =	simm.s32 $execute0_lowered;
	[smem:$0x3FD2] =	sst s25  }
0xa6: {  	s5 =	sshll.u32 s26, $0x1;
	_ =	strace $0x80000049;
	[dreg:$0x1] =	wrdreg $0xFFFFFFFF  }
0xa7: {  	s28 =	simm.s32 $_size_execute0_lowered;
	s3 =	sadd.s32 s3, s5;
	[dreg:$0x0] =	wrdreg $0x0  }
0xa8: {  	s5 =	sshll.u32 s28, $0x1;
	[dreg:$0x2] =	wrdreg s3  }
0xa9: {  	[dreg:$0x3] =	wrdreg s5  }
0xaa: {  	[dreg:$0x4] =	wrdreg $0xC0  }
0xab: {  	_ =	task [dreg:s7], $0x5FFFF  }
0xac: {  	[dreg:$0x1] =	wrdreg $0xFFFFFFFF  }
0xad: {  	[dreg:$0x0] =	wrdreg $0x60  }
0xae: {  	[dreg:$0x2] =	wrdreg s24  }
0xaf: {  	[dreg:$0x3] =	wrdreg s2  }
0xb0: {  	[dreg:$0x4] =	wrdreg $0x9  }
0xb1: {  	_ =	task.clear_ibuf [dreg:s7], $0x5FFFF;
	_ =	strace $0x90000049  }
0xb2: {  	s29 =	simm.s32 $0x9;
	_ =	strace $0x8000004B  }
0xb3: {  	_ =	swait.ge [sflag:s29], $0x1  }
0xb4: {  	[sflag:s29] =	ssyncadd.s32 $0xFFFFFFFF  }
0xb5: {  	_ =	strace $0x9000004B  }
0xb6: {  	_ =	sfence  }
0xb7: {  	s30 =	sld [smem:$0x0];
	_ =	sdelay $0x2  }
0xb8: {  	s31 =	sshll.u32 s1, $0xD;
	s1 =	sshrl.u32 s1, $0x2  }
0xb9: {  	s3 =	sand.u32 $0x4000, s31;
	s1 =	sadd.s32 s1, s30  }
0xba: {  	s0 =	sor.u32 s3, s0;
	s1 =	sshll.u32 s1, $0x11  }
0xbb: {  	s0 =	sor.u32 s1, s0  }
0xbc: {  	s0 =	sadd.s32 $0x8F2B, s0  }
0xbd: {  	[sflag:s0] =	ssyncadd.remote.s32 $0x1  }
0xbe: {  	_ =	sfence.sel $0xFFFF  }
0xbf: {  	[dreg:$0x0] =	wrdreg $0xFFFFFFFF;
	(pc) =	sbr.abs _section_cstart, $3  }
0xc0: {  	[dreg:$0x1] =	wrdreg $0xFFFFFFFF  }
0xc1: {  	_ =	task.clear_ibuf [dreg:s7], $0x2FFFF;
	_ =	strace $0x9FFFFFFF  }
0xc2: {  	(tm) =	ssettm $0x7FFFFFFF  }
0xc3: {  	_ =	shalt  }
tec
execute0_lowered:
.L_overlay_start_1:
0x0: {  	(tag) =	ssettag $0x1  }
0x1: {  	s0 =	rddreg [dreg:$0x0]  }
0x2: {  	s1 =	rddreg [dreg:$0x1];
	s3 =	srdreg.scid;
	s2 =	simm.s32 $0x0  }
0x3: {  	s4 =	stileid.u32;
	s14 =	simm.s32 $0x9A00;
	s15 =	simm.s32 $0xAA00  }
0x4: {  	s16 =	simm.s32 $0xB200;
	s28 =	simm.s32 $0xE200;
	s29 =	simm.s32 $0xEA00  }
0x5: {  	s30 =	simm.s32 $0xF200;
	s31 =	simm.s32 $0xFA00;
	s3 =	sand.u32 $0x1, s3  }
0x6: {  	[smem:$0x7FF] =	sst s2;
	s4 =	sshll.u32 s4, $0x7;
	s11 =	sadd.s32 $0x378600, s0  }
0x7: {  	s9 =	sadd.s32 $0x378A00, s0;
	s10 =	sadd.s32 $0x378B00, s0;
	s5 =	sshll.u32 s3, $0x6  }
0x8: {  	_ =	strace $0x8000004A;
	s6 =	ssub.s32 $0x2, s3;
	s4 =	sor.u32 s5, s4  }
0x9: {  	s3 =	sadd.s32 $0x378800, s0;
	s17 =	sshrl.u32 s6, $0x1;
	s7 =	sshrl.u32 s4, $0x3  }
0xa: {  	s5 =	ssub.s32 s6, s17;
	s21 =	sshll.u32 s4, $0x7;
	s4 =	sor.u32 $0x20, s4  }
0xb: {  	s17 =	simm.s32 $0xBA00;
	s18 =	sor.u32 $0x100, s7;
	s8 =	sadd.s32 s0, s7  }
0xc: {  	s20 =	sadd.s32 s11, s7;
	s22 =	sshrl.u32 s4, $0x3;
	[dreg:$0x3] =	wrdreg s8  }
0xd: {  	s7 =	sor.u32 $0x104, s7;
	s26 =	smax.u32 s5, $0x1;
	[dreg:$0x5] =	wrdreg s20  }
0xe: {  	s23 =	sshll.u32 s4, $0x7;
	s19 =	sadd.s32 s0, s18;
	[dreg:$0xd] =	wrdreg s26  }
0xf: {  	s6 =	sadd.s32 s11, s18;
	s8 =	sadd.s32 $0x378900, s0;
	[dreg:$0x4] =	wrdreg s19  }
0x10: {  	s12 =	sadd.s32 s0, s22;
	s0 =	sadd.s32 s0, s7;
	[dreg:$0x6] =	wrdreg s6  }
0x11: {  	s24 =	sadd.s32 s11, s22;
	s25 =	sadd.s32 s11, s7;
	[dreg:$0x8] =	wrdreg s12  }
0x12: {  	s18 =	simm.s32 $0x2;
	s22 =	simm.s32 $0x200;
	[dreg:$0x9] =	wrdreg s0  }
0x13: {  	s20 =	simm.s32 $0x9200;
	s26 =	simm.s32 $0xDA00;
	[dreg:$0xa] =	wrdreg s24  }
0x14: {  	s6 =	sadd.s32 s1, s21;
	[dreg:$0xb] =	wrdreg s25;
	s0 =	sadd.s32 s1, s23  }
0x15: {  	v2 =	vlaneseq.u32;
	s19 =	simm.s32 $0x80;
	s12 =	simm.s32 $0x1;
	s21 =	simm.s32 $0xA200  }
0x16: {  	vm0 =	vmmov $0xffff;
	v1 =	vshrl.u32 v2, $0x3;
	s23 =	simm.s32 $0xC200;
	s24 =	simm.s32 $0xCA00;
	[dreg:$0x7] =	wrdreg s6  }
0x17: {  	v0 =	vand.u32 $0x7, v2;
	v2 =	vor.u32 $0x8, v2;
	v1 =	vmul.u32 $0x8, v1;
	s25 =	simm.s32 $0xD200;
	[dreg:$0xc] =	wrdreg s0;
	s0 =	simm.s32 $0x0  }
.LBB2_1:
0x18: {  	s1 =	rddreg [dreg:$0x3]  }
0x19: {  	[tilespmem:s2], [sflag:$0x2] =	stream.linear.gather [hbm4b:s1+s2], $0x20, $0x38;
	[tilespmem:$0x10200] =	vst v63  }
0x1a: {  	_ =	swait.ge [sflag:s18], $0x20  }
0x1b: {  	[sflag:s18] =	ssyncset.done $0x0  }
0x1c: {  	s6 =	rddreg [dreg:$0x4];
	[sflag:s18] =	ssyncadd.s32 $0xFFFFFFE0  }
0x1d: {  	[tilespmem:s19], [sflag:$0x2] =	stream.linear.gather [hbm4b:s6+s2], $0x20, $0x38;
	[tilespmem:$0x10200] =	vst v63  }
0x1e: {  	_ =	swait.ge [sflag:s18], $0x20  }
0x1f: {  	[sflag:s18] =	ssyncset.done $0x0  }
0x20: {  	s4 =	simm.s32 $0x100;
	s7 =	rddreg [dreg:$0x5];
	[sflag:s18] =	ssyncadd.s32 $0xFFFFFFE0  }
0x21: {  	[tilespmem:s4], [sflag:$0x2] =	stream.linear.gather [hbm4b:s7+s2], $0x20, $0x38;
	[tilespmem:$0x10200] =	vst v63  }
0x22: {  	_ =	swait.ge [sflag:s18], $0x20  }
0x23: {  	[sflag:s18] =	ssyncset.done $0x0  }
0x24: {  	s13 =	simm.s32 $0x180;
	s11 =	rddreg [dreg:$0x6];
	[sflag:s18] =	ssyncadd.s32 $0xFFFFFFE0  }
0x25: {  	[tilespmem:s13], [sflag:$0x2] =	stream.linear.gather [hbm4b:s11+s2], $0x20, $0x38;
	[tilespmem:$0x10200] =	vst v63  }
0x26: {  	_ =	swait.ge [sflag:s18], $0x20  }
0x27: {  	[sflag:s18] =	ssyncset.done $0x0  }
0x28: {  	[sflag:s18] =	ssyncadd.s32 $0xFFFFFFE0  }
0x29: {  	v3 =	vld [tilespmem:$0x0];
	_ =	sdelay $0x4  }
0x2a: {  	v4 =	vshll.u32 v3, $0x3  }
0x2b: {  	v3 =	vand.u32 $0x7, v3;
	v4 =	vand.u32 $0xFFFFFFC0, v4  }
0x2c: {  	v3 =	vor.u32 v3, v4  }
0x2d: {  	v4 =	vperm.xlane v3, v0;
	_ =	sdelay $0x1  }
0x2e: {  	v4 =	vadd.s32 v1, v4;
	_ =	sdelay $0x4  }
0x2f: {  	[tilespmem:s22], [sflag:$0x1] =	stream.indirect_vreg.gather [hbm4b:s3+s2], $0x80, v4, vm0, $0xb8;
	[tilespmem:$0x10200] =	vst v63  }
0x30: {  	s5 =	simm.s32 $0xA00;
	v3 =	vperm.xlane v3, v2  }
0x31: {  	[tilespmem:s5], [sflag:$0x1] =	stream.indirect_vreg.gather [hbm4b:s8+s2], $0x80, v4, vm0, $0xb8;
	[tilespmem:$0x10200] =	vst v63  }
0x32: {  	s6 =	simm.s32 $0x1200;
	v3 =	vadd.s32 v1, v3  }
0x33: {  	[tilespmem:s6], [sflag:$0x1] =	stream.indirect_vreg.gather [hbm4b:s9+s2], $0x80, v4, vm0, $0xb8;
	[tilespmem:$0x10200] =	vst v63  }
0x34: {  	s7 =	simm.s32 $0x1A00  }
0x35: {  	[tilespmem:s7], [sflag:$0x1] =	stream.indirect_vreg.gather [hbm4b:s10+s2], $0x80, v4, vm0, $0xb8;
	[tilespmem:$0x10200] =	vst v63  }
0x36: {  	s11 =	simm.s32 $0x2200  }
0x37: {  	[tilespmem:s11], [sflag:$0x1] =	stream.indirect_vreg.gather [hbm4b:s3+s2], $0x80, v3, vm0, $0xb8;
	[tilespmem:$0x10200] =	vst v63  }
0x38: {  	s13 =	simm.s32 $0x2A00  }
0x39: {  	[tilespmem:s13], [sflag:$0x1] =	stream.indirect_vreg.gather [hbm4b:s8+s2], $0x80, v3, vm0, $0xb8;
	[tilespmem:$0x10200] =	vst v63  }
0x3a: {  	s4 =	simm.s32 $0x3200  }
0x3b: {  	[tilespmem:s4], [sflag:$0x1] =	stream.indirect_vreg.gather [hbm4b:s9+s2], $0x80, v3, vm0, $0xb8;
	[tilespmem:$0x10200] =	vst v63  }
0x3c: {  	s5 =	simm.s32 $0x3A00  }
0x3d: {  	[tilespmem:s5], [sflag:$0x1] =	stream.indirect_vreg.gather [hbm4b:s10+s2], $0x80, v3, vm0, $0xb8;
	[tilespmem:$0x10200] =	vst v63  }
0x3e: {  	v3 =	vld [tilespmem:$0x10];
	_ =	sdelay $0x4  }
0x3f: {  	v61 =	vshll.u32 v3, $0x3  }
0x40: {  	v3 =	vand.u32 $0x7, v3;
	v4 =	vand.u32 $0xFFFFFFC0, v61  }
0x41: {  	v3 =	vor.u32 v3, v4  }
0x42: {  	v4 =	vperm.xlane v3, v0;
	_ =	sdelay $0x1  }
0x43: {  	v4 =	vadd.s32 v1, v4;
	_ =	sdelay $0x3  }
0x44: {  	s6 =	simm.s32 $0x4200  }
0x45: {  	[tilespmem:s6], [sflag:$0x1] =	stream.indirect_vreg.gather [hbm4b:s3+s2], $0x80, v4, vm0, $0xb8;
	[tilespmem:$0x10200] =	vst v63  }
0x46: {  	s7 =	simm.s32 $0x4A00;
	v3 =	vperm.xlane v3, v2  }
0x47: {  	[tilespmem:s7], [sflag:$0x1] =	stream.indirect_vreg.gather [hbm4b:s8+s2], $0x80, v4, vm0, $0xb8;
	[tilespmem:$0x10200] =	vst v63  }
0x48: {  	s11 =	simm.s32 $0x5200;
	v3 =	vadd.s32 v1, v3  }
0x49: {  	[tilespmem:s11], [sflag:$0x1] =	stream.indirect_vreg.gather [hbm4b:s9+s2], $0x80, v4, vm0, $0xb8;
	[tilespmem:$0x10200] =	vst v63  }
0x4a: {  	s13 =	simm.s32 $0x5A00  }
0x4b: {  	[tilespmem:s13], [sflag:$0x1] =	stream.indirect_vreg.gather [hbm4b:s10+s2], $0x80, v4, vm0, $0xb8;
	[tilespmem:$0x10200] =	vst v63  }
0x4c: {  	s4 =	simm.s32 $0x6200  }
0x4d: {  	[tilespmem:s4], [sflag:$0x1] =	stream.indirect_vreg.gather [hbm4b:s3+s2], $0x80, v3, vm0, $0xb8;
	[tilespmem:$0x10200] =	vst v63  }
0x4e: {  	s5 =	simm.s32 $0x6A00  }
0x4f: {  	[tilespmem:s5], [sflag:$0x1] =	stream.indirect_vreg.gather [hbm4b:s8+s2], $0x80, v3, vm0, $0xb8;
	[tilespmem:$0x10200] =	vst v63  }
0x50: {  	s6 =	simm.s32 $0x7200  }
0x51: {  	[tilespmem:s6], [sflag:$0x1] =	stream.indirect_vreg.gather [hbm4b:s9+s2], $0x80, v3, vm0, $0xb8;
	[tilespmem:$0x10200] =	vst v63  }
0x52: {  	s7 =	simm.s32 $0x7A00  }
0x53: {  	[tilespmem:s7], [sflag:$0x1] =	stream.indirect_vreg.gather [hbm4b:s10+s2], $0x80, v3, vm0, $0xb8;
	[tilespmem:$0x10200] =	vst v63  }
0x54: {  	_ =	swait.ge [sflag:s12], $0x8000  }
0x55: {  	[sflag:s12] =	ssyncset.done $0x0  }
0x56: {  	[sflag:s12] =	ssyncadd.s32 $0xFFFF8000  }
0x57: {  	v3 =	vld [tilespmem:$0x80];
	_ =	sdelay $0x4  }
0x58: {  	v62 =	vshll.u32 v3, $0x3  }
0x59: {  	v3 =	vand.u32 $0x7, v3;
	v4 =	vand.u32 $0xFFFFFFC0, v62  }
0x5a: {  	v3 =	vor.u32 v3, v4  }
0x5b: {  	v4 =	vperm.xlane v3, v0;
	_ =	sdelay $0x1  }
0x5c: {  	v4 =	vadd.s32 v1, v4;
	_ =	sdelay $0x3  }
0x5d: {  	s11 =	simm.s32 $0x8200  }
0x5e: {  	[tilespmem:s11], [sflag:$0x1] =	stream.indirect_vreg.gather [hbm4b:s3+s2], $0x80, v4, vm0, $0xb8;
	[tilespmem:$0x10200] =	vst v63  }
0x5f: {  	s13 =	simm.s32 $0x8A00;
	v3 =	vperm.xlane v3, v2  }
0x60: {  	[tilespmem:s13], [sflag:$0x1] =	stream.indirect_vreg.gather [hbm4b:s8+s2], $0x80, v4, vm0, $0xb8;
	[tilespmem:$0x10200] =	vst v63  }
0x61: {  	v3 =	vadd.s32 v1, v3  }
0x62: {  	[tilespmem:s20], [sflag:$0x1] =	stream.indirect_vreg.gather [hbm4b:s9+s2], $0x80, v4, vm0, $0xb8;
	[tilespmem:$0x10200] =	vst v63  }
0x63: {  	_ = 	snop  }
0x64: {  	[tilespmem:s14], [sflag:$0x1] =	stream.indirect_vreg.gather [hbm4b:s10+s2], $0x80, v4, vm0, $0xb8;
	[tilespmem:$0x10200] =	vst v63  }
0x65: {  	_ = 	snop  }
0x66: {  	[tilespmem:s21], [sflag:$0x1] =	stream.indirect_vreg.gather [hbm4b:s3+s2], $0x80, v3, vm0, $0xb8;
	[tilespmem:$0x10200] =	vst v63  }
0x67: {  	_ = 	snop  }
0x68: {  	[tilespmem:s15], [sflag:$0x1] =	stream.indirect_vreg.gather [hbm4b:s8+s2], $0x80, v3, vm0, $0xb8;
	[tilespmem:$0x10200] =	vst v63  }
0x69: {  	_ = 	snop  }
0x6a: {  	[tilespmem:s16], [sflag:$0x1] =	stream.indirect_vreg.gather [hbm4b:s9+s2], $0x80, v3, vm0, $0xb8;
	[tilespmem:$0x10200] =	vst v63  }
0x6b: {  	_ = 	snop  }
0x6c: {  	[tilespmem:s17], [sflag:$0x1] =	stream.indirect_vreg.gather [hbm4b:s10+s2], $0x80, v3, vm0, $0xb8;
	[tilespmem:$0x10200] =	vst v63  }
0x6d: {  	v3 =	vld [tilespmem:$0x90];
	_ =	sdelay $0x4  }
0x6e: {  	v63 =	vshll.u32 v3, $0x3  }
0x6f: {  	v3 =	vand.u32 $0x7, v3;
	v4 =	vand.u32 $0xFFFFFFC0, v63  }
0x70: {  	v3 =	vor.u32 v3, v4  }
0x71: {  	v4 =	vperm.xlane v3, v0;
	_ =	sdelay $0x1  }
0x72: {  	v4 =	vadd.s32 v1, v4;
	_ =	sdelay $0x4  }
0x73: {  	[tilespmem:s23], [sflag:$0x1] =	stream.indirect_vreg.gather [hbm4b:s3+s2], $0x80, v4, vm0, $0xb8;
	[tilespmem:$0x10200] =	vst v63  }
0x74: {  	v3 =	vperm.xlane v3, v2  }
0x75: {  	[tilespmem:s24], [sflag:$0x1] =	stream.indirect_vreg.gather [hbm4b:s8+s2], $0x80, v4, vm0, $0xb8;
	[tilespmem:$0x10200] =	vst v63  }
0x76: {  	v3 =	vadd.s32 v1, v3  }
0x77: {  	[tilespmem:s25], [sflag:$0x1] =	stream.indirect_vreg.gather [hbm4b:s9+s2], $0x80, v4, vm0, $0xb8;
	[tilespmem:$0x10200] =	vst v63  }
0x78: {  	_ = 	snop  }
0x79: {  	[tilespmem:s26], [sflag:$0x1] =	stream.indirect_vreg.gather [hbm4b:s10+s2], $0x80, v4, vm0, $0xb8;
	[tilespmem:$0x10200] =	vst v63  }
0x7a: {  	_ = 	snop  }
0x7b: {  	[tilespmem:s28], [sflag:$0x1] =	stream.indirect_vreg.gather [hbm4b:s3+s2], $0x80, v3, vm0, $0xb8;
	[tilespmem:$0x10200] =	vst v63  }
0x7c: {  	_ = 	snop  }
0x7d: {  	[tilespmem:s29], [sflag:$0x1] =	stream.indirect_vreg.gather [hbm4b:s8+s2], $0x80, v3, vm0, $0xb8;
	[tilespmem:$0x10200] =	vst v63  }
0x7e: {  	_ = 	snop  }
0x7f: {  	[tilespmem:s30], [sflag:$0x1] =	stream.indirect_vreg.gather [hbm4b:s9+s2], $0x80, v3, vm0, $0xb8;
	[tilespmem:$0x10200] =	vst v63  }
0x80: {  	_ = 	snop  }
0x81: {  	[tilespmem:s31], [sflag:$0x1] =	stream.indirect_vreg.gather [hbm4b:s10+s2], $0x80, v3, vm0, $0xb8;
	[tilespmem:$0x10200] =	vst v63  }
0x82: {  	_ =	swait.ge [sflag:s12], $0x8000  }
0x83: {  	[sflag:s12] =	ssyncset.done $0x0  }
0x84: {  	s1 =	simm.s32 $0x0;
	[sflag:s12] =	ssyncadd.s32 $0xFFFF8000  }
.LBB2_2:
0x85: {  	s4 =	sshll.u32 s1, $0xA;
	s5 =	sshll.u32 s1, $0x7  }
0x86: {  	s6 =	simm.s32 $0x0;
	s4 =	sand.u32 $0x6000, s4;
	s5 =	sand.u32 $0x380, s5  }
0x87: {  	s13 =	sand.u32 $0x1C00, s6;
	s4 =	sor.u32 s4, s5  }
0x88: {  	v3 =	vld.msk [tilespmem:s1+$0x100 ss:$0x0], $0xffff;
	s6 =	sand.u32 $0x70, s6;
	s5 =	sor.u32 s13, s4  }
0x89: {  	v4 =	vld.msk [tilespmem:s1+$0x180 ss:$0x0], $0xffff;
	s5 =	sor.u32 s6, s5  }
0x8a: {  	v5 =	vld [tilespmem:s5+$0x8200]  }
0x8b: {  	v6 =	vld [tilespmem:s5+$0x200];
	_ =	sdelay $0x4  }
0x8c: {  	s6 =	simm.s32 $0x80;
	v6 =	vmul.f32 v6, v3;
	v5 =	vmul.f32 v5, v4  }
0x8d: {  	s7 =	simm.s32 $0x10;
	s13 =	sand.u32 $0x1C00, s6  }
0x8e: {  	s11 =	sand.u32 $0x70, s7;
	s7 =	simm.s32 $0x20;
	s13 =	sor.u32 s13, s4;
	v5 =	vadd.f32 v5, v6  }
.LBB2_3:
0x8f: {  	p0 =	sne.s32 s7, $0x3F0;
	s11 =	sor.u32 s11, s13  }
0x90: {  	v6 =	vld [tilespmem:s11+$0x8200];
	[tilespmem:s5+$0x200] =	vst v5;
	s5 =	smov.u32 s11  }
0x91: {  	v5 =	vld [tilespmem:s5+$0x200];
	_ =	sdelay $0x2  }
.Ltmp0:
0x92: {  	(pc) =	sbr.rel @p0 .LBB2_3-.Ltmp0, $4  }
0x93: {  	_ = 	snop  }
0x94: {  	s6 =	sadd.s32 $0x80, s6;
	v6 =	vmul.f32 v6, v4;
	v5 =	vmul.f32 v5, v3  }
0x95: {  	s13 =	sand.u32 $0x1C00, s6  }
0x96: {  	s11 =	sand.u32 $0x70, s7;
	s7 =	sadd.s32 $0x10, s7;
	s13 =	sor.u32 s13, s4;
	v5 =	vadd.f32 v6, v5  }
0x97: {  	s4 =	sor.u32 s11, s13  }
0x98: {  	v6 =	vld [tilespmem:s4+$0x8200];
	[tilespmem:s5+$0x200] =	vst v5  }
0x99: {  	v5 =	vld [tilespmem:s4+$0x200];
	_ =	sdelay $0x2  }
0x9a: {  	s1 =	sadd.s32 $0x1, s1  }
0x9b: {  	p0 =	sne.s32 s1, $0x20  }
.Ltmp1:
0x9c: {  	v4 =	vmul.f32 v6, v4;
	v3 =	vmul.f32 v5, v3;
	(pc) =	sbr.rel @p0 .LBB2_2-.Ltmp1, $3  }
0x9d: {  	_ = 	snop  }
0x9e: {  	v3 =	vadd.f32 v4, v3;
	_ =	sdelay $0x1  }
0x9f: {  	[tilespmem:s4+$0x200] =	vst v3  }
0xa0: {  	s1 =	simm.s32 $0x0;
	s4 =	rddreg [dreg:$0x7]  }
0xa1: {  	[hbm4b:s4+s1] =	stream.linear.scatter [tilespmem:s22], [sflag:$0x2], $0x8000, $0x38;
	[tilespmem:$0x10200] =	vst v63  }
0xa2: {  	_ =	swait.ge [sflag:s18], $0x8000  }
0xa3: {  	[sflag:s18] =	ssyncset.done $0x0  }
0xa4: {  	s6 =	rddreg [dreg:$0x8];
	[sflag:s18] =	ssyncadd.s32 $0xFFFF8000  }
0xa5: {  	[tilespmem:s1], [sflag:$0x2] =	stream.linear.gather [hbm4b:s6+s1], $0x20, $0x38;
	[tilespmem:$0x10200] =	vst v63  }
0xa6: {  	_ =	swait.ge [sflag:s18], $0x20  }
0xa7: {  	[sflag:s18] =	ssyncset.done $0x0  }
0xa8: {  	s7 =	rddreg [dreg:$0x9];
	[sflag:s18] =	ssyncadd.s32 $0xFFFFFFE0  }
0xa9: {  	[tilespmem:s19], [sflag:$0x2] =	stream.linear.gather [hbm4b:s7+s1], $0x20, $0x38;
	[tilespmem:$0x10200] =	vst v63  }
0xaa: {  	_ =	swait.ge [sflag:s18], $0x20  }
0xab: {  	[sflag:s18] =	ssyncset.done $0x0  }
0xac: {  	s5 =	simm.s32 $0x100;
	s11 =	rddreg [dreg:$0xa];
	[sflag:s18] =	ssyncadd.s32 $0xFFFFFFE0  }
0xad: {  	[tilespmem:s5], [sflag:$0x2] =	stream.linear.gather [hbm4b:s11+s1], $0x20, $0x38;
	[tilespmem:$0x10200] =	vst v63  }
0xae: {  	_ =	swait.ge [sflag:s18], $0x20  }
0xaf: {  	[sflag:s18] =	ssyncset.done $0x0  }
0xb0: {  	s19 =	simm.s32 $0x180;
	s13 =	rddreg [dreg:$0xb];
	[sflag:s18] =	ssyncadd.s32 $0xFFFFFFE0  }
0xb1: {  	[tilespmem:s19], [sflag:$0x2] =	stream.linear.gather [hbm4b:s13+s1], $0x20, $0x38;
	[tilespmem:$0x10200] =	vst v63  }
0xb2: {  	_ =	swait.ge [sflag:s18], $0x20  }
0xb3: {  	[sflag:s18] =	ssyncset.done $0x0  }
0xb4: {  	[sflag:s18] =	ssyncadd.s32 $0xFFFFFFE0  }
0xb5: {  	v3 =	vld [tilespmem:$0x0];
	_ =	sdelay $0x4  }
0xb6: {  	v4 =	vshll.u32 v3, $0x3  }
0xb7: {  	v3 =	vand.u32 $0x7, v3;
	v4 =	vand.u32 $0xFFFFFFC0, v4  }
0xb8: {  	v3 =	vor.u32 v3, v4  }
0xb9: {  	v4 =	vperm.xlane v3, v0;
	_ =	sdelay $0x1  }
0xba: {  	v4 =	vadd.s32 v1, v4;
	_ =	sdelay $0x4  }
0xbb: {  	[tilespmem:s22], [sflag:$0x1] =	stream.indirect_vreg.gather [hbm4b:s3+s1], $0x80, v4, vm0, $0xb8;
	[tilespmem:$0x10200] =	vst v63  }
0xbc: {  	s6 =	simm.s32 $0xA00;
	v3 =	vperm.xlane v3, v2  }
0xbd: {  	[tilespmem:s6], [sflag:$0x1] =	stream.indirect_vreg.gather [hbm4b:s8+s1], $0x80, v4, vm0, $0xb8;
	[tilespmem:$0x10200] =	vst v63  }
0xbe: {  	s7 =	simm.s32 $0x1200;
	v3 =	vadd.s32 v1, v3  }
0xbf: {  	[tilespmem:s7], [sflag:$0x1] =	stream.indirect_vreg.gather [hbm4b:s9+s1], $0x80, v4, vm0, $0xb8;
	[tilespmem:$0x10200] =	vst v63  }
0xc0: {  	s11 =	simm.s32 $0x1A00  }
0xc1: {  	[tilespmem:s11], [sflag:$0x1] =	stream.indirect_vreg.gather [hbm4b:s10+s1], $0x80, v4, vm0, $0xb8;
	[tilespmem:$0x10200] =	vst v63  }
0xc2: {  	s13 =	simm.s32 $0x2200  }
0xc3: {  	[tilespmem:s13], [sflag:$0x1] =	stream.indirect_vreg.gather [hbm4b:s3+s1], $0x80, v3, vm0, $0xb8;
	[tilespmem:$0x10200] =	vst v63  }
0xc4: {  	s19 =	simm.s32 $0x2A00  }
0xc5: {  	[tilespmem:s19], [sflag:$0x1] =	stream.indirect_vreg.gather [hbm4b:s8+s1], $0x80, v3, vm0, $0xb8;
	[tilespmem:$0x10200] =	vst v63  }
0xc6: {  	s5 =	simm.s32 $0x3200  }
0xc7: {  	[tilespmem:s5], [sflag:$0x1] =	stream.indirect_vreg.gather [hbm4b:s9+s1], $0x80, v3, vm0, $0xb8;
	[tilespmem:$0x10200] =	vst v63  }
0xc8: {  	s6 =	simm.s32 $0x3A00  }
0xc9: {  	[tilespmem:s6], [sflag:$0x1] =	stream.indirect_vreg.gather [hbm4b:s10+s1], $0x80, v3, vm0, $0xb8;
	[tilespmem:$0x10200] =	vst v63  }
0xca: {  	v3 =	vld [tilespmem:$0x10];
	_ =	sdelay $0x4  }
0xcb: {  	v61 =	vshll.u32 v3, $0x3  }
0xcc: {  	v3 =	vand.u32 $0x7, v3;
	v4 =	vand.u32 $0xFFFFFFC0, v61  }
0xcd: {  	v3 =	vor.u32 v3, v4  }
0xce: {  	v4 =	vperm.xlane v3, v0;
	_ =	sdelay $0x1  }
0xcf: {  	v4 =	vadd.s32 v1, v4;
	_ =	sdelay $0x3  }
0xd0: {  	s7 =	simm.s32 $0x4200  }
0xd1: {  	[tilespmem:s7], [sflag:$0x1] =	stream.indirect_vreg.gather [hbm4b:s3+s1], $0x80, v4, vm0, $0xb8;
	[tilespmem:$0x10200] =	vst v63  }
0xd2: {  	s11 =	simm.s32 $0x4A00;
	v3 =	vperm.xlane v3, v2  }
0xd3: {  	[tilespmem:s11], [sflag:$0x1] =	stream.indirect_vreg.gather [hbm4b:s8+s1], $0x80, v4, vm0, $0xb8;
	[tilespmem:$0x10200] =	vst v63  }
0xd4: {  	s13 =	simm.s32 $0x5200;
	v3 =	vadd.s32 v1, v3  }
0xd5: {  	[tilespmem:s13], [sflag:$0x1] =	stream.indirect_vreg.gather [hbm4b:s9+s1], $0x80, v4, vm0, $0xb8;
	[tilespmem:$0x10200] =	vst v63  }
0xd6: {  	s19 =	simm.s32 $0x5A00  }
0xd7: {  	[tilespmem:s19], [sflag:$0x1] =	stream.indirect_vreg.gather [hbm4b:s10+s1], $0x80, v4, vm0, $0xb8;
	[tilespmem:$0x10200] =	vst v63  }
0xd8: {  	s5 =	simm.s32 $0x6200  }
0xd9: {  	[tilespmem:s5], [sflag:$0x1] =	stream.indirect_vreg.gather [hbm4b:s3+s1], $0x80, v3, vm0, $0xb8;
	[tilespmem:$0x10200] =	vst v63  }
0xda: {  	s6 =	simm.s32 $0x6A00  }
0xdb: {  	[tilespmem:s6], [sflag:$0x1] =	stream.indirect_vreg.gather [hbm4b:s8+s1], $0x80, v3, vm0, $0xb8;
	[tilespmem:$0x10200] =	vst v63  }
0xdc: {  	s7 =	simm.s32 $0x7200  }
0xdd: {  	[tilespmem:s7], [sflag:$0x1] =	stream.indirect_vreg.gather [hbm4b:s9+s1], $0x80, v3, vm0, $0xb8;
	[tilespmem:$0x10200] =	vst v63  }
0xde: {  	s11 =	simm.s32 $0x7A00  }
0xdf: {  	[tilespmem:s11], [sflag:$0x1] =	stream.indirect_vreg.gather [hbm4b:s10+s1], $0x80, v3, vm0, $0xb8;
	[tilespmem:$0x10200] =	vst v63  }
0xe0: {  	_ =	swait.ge [sflag:s12], $0x8000  }
0xe1: {  	[sflag:s12] =	ssyncset.done $0x0  }
0xe2: {  	[sflag:s12] =	ssyncadd.s32 $0xFFFF8000  }
0xe3: {  	v3 =	vld [tilespmem:$0x80];
	_ =	sdelay $0x4  }
0xe4: {  	v62 =	vshll.u32 v3, $0x3  }
0xe5: {  	v3 =	vand.u32 $0x7, v3;
	v4 =	vand.u32 $0xFFFFFFC0, v62  }
0xe6: {  	v3 =	vor.u32 v3, v4  }
0xe7: {  	v4 =	vperm.xlane v3, v0;
	_ =	sdelay $0x1  }
0xe8: {  	v4 =	vadd.s32 v1, v4;
	_ =	sdelay $0x3  }
0xe9: {  	s13 =	simm.s32 $0x8200  }
0xea: {  	[tilespmem:s13], [sflag:$0x1] =	stream.indirect_vreg.gather [hbm4b:s3+s1], $0x80, v4, vm0, $0xb8;
	[tilespmem:$0x10200] =	vst v63  }
0xeb: {  	s19 =	simm.s32 $0x8A00;
	v3 =	vperm.xlane v3, v2  }
0xec: {  	[tilespmem:s19], [sflag:$0x1] =	stream.indirect_vreg.gather [hbm4b:s8+s1], $0x80, v4, vm0, $0xb8;
	[tilespmem:$0x10200] =	vst v63  }
0xed: {  	v3 =	vadd.s32 v1, v3  }
0xee: {  	[tilespmem:s20], [sflag:$0x1] =	stream.indirect_vreg.gather [hbm4b:s9+s1], $0x80, v4, vm0, $0xb8;
	[tilespmem:$0x10200] =	vst v63  }
0xef: {  	_ = 	snop  }
0xf0: {  	[tilespmem:s14], [sflag:$0x1] =	stream.indirect_vreg.gather [hbm4b:s10+s1], $0x80, v4, vm0, $0xb8;
	[tilespmem:$0x10200] =	vst v63  }
0xf1: {  	_ = 	snop  }
0xf2: {  	[tilespmem:s21], [sflag:$0x1] =	stream.indirect_vreg.gather [hbm4b:s3+s1], $0x80, v3, vm0, $0xb8;
	[tilespmem:$0x10200] =	vst v63  }
0xf3: {  	_ = 	snop  }
0xf4: {  	[tilespmem:s15], [sflag:$0x1] =	stream.indirect_vreg.gather [hbm4b:s8+s1], $0x80, v3, vm0, $0xb8;
	[tilespmem:$0x10200] =	vst v63  }
0xf5: {  	_ = 	snop  }
0xf6: {  	[tilespmem:s16], [sflag:$0x1] =	stream.indirect_vreg.gather [hbm4b:s9+s1], $0x80, v3, vm0, $0xb8;
	[tilespmem:$0x10200] =	vst v63  }
0xf7: {  	_ = 	snop  }
0xf8: {  	[tilespmem:s17], [sflag:$0x1] =	stream.indirect_vreg.gather [hbm4b:s10+s1], $0x80, v3, vm0, $0xb8;
	[tilespmem:$0x10200] =	vst v63  }
0xf9: {  	v3 =	vld [tilespmem:$0x90];
	_ =	sdelay $0x4  }
0xfa: {  	v63 =	vshll.u32 v3, $0x3  }
0xfb: {  	v3 =	vand.u32 $0x7, v3;
	v4 =	vand.u32 $0xFFFFFFC0, v63  }
0xfc: {  	v3 =	vor.u32 v3, v4  }
0xfd: {  	v4 =	vperm.xlane v3, v0;
	_ =	sdelay $0x1  }
0xfe: {  	v4 =	vadd.s32 v1, v4;
	_ =	sdelay $0x4  }
0xff: {  	[tilespmem:s23], [sflag:$0x1] =	stream.indirect_vreg.gather [hbm4b:s3+s1], $0x80, v4, vm0, $0xb8;
	[tilespmem:$0x10200] =	vst v63  }
0x100: {  	v3 =	vperm.xlane v3, v2  }
0x101: {  	[tilespmem:s24], [sflag:$0x1] =	stream.indirect_vreg.gather [hbm4b:s8+s1], $0x80, v4, vm0, $0xb8;
	[tilespmem:$0x10200] =	vst v63  }
0x102: {  	v3 =	vadd.s32 v1, v3  }
0x103: {  	[tilespmem:s25], [sflag:$0x1] =	stream.indirect_vreg.gather [hbm4b:s9+s1], $0x80, v4, vm0, $0xb8;
	[tilespmem:$0x10200] =	vst v63  }
0x104: {  	_ = 	snop  }
0x105: {  	[tilespmem:s26], [sflag:$0x1] =	stream.indirect_vreg.gather [hbm4b:s10+s1], $0x80, v4, vm0, $0xb8;
	[tilespmem:$0x10200] =	vst v63  }
0x106: {  	_ = 	snop  }
0x107: {  	[tilespmem:s28], [sflag:$0x1] =	stream.indirect_vreg.gather [hbm4b:s3+s1], $0x80, v3, vm0, $0xb8;
	[tilespmem:$0x10200] =	vst v63  }
0x108: {  	_ = 	snop  }
0x109: {  	[tilespmem:s29], [sflag:$0x1] =	stream.indirect_vreg.gather [hbm4b:s8+s1], $0x80, v3, vm0, $0xb8;
	[tilespmem:$0x10200] =	vst v63  }
0x10a: {  	_ = 	snop  }
0x10b: {  	[tilespmem:s30], [sflag:$0x1] =	stream.indirect_vreg.gather [hbm4b:s9+s1], $0x80, v3, vm0, $0xb8;
	[tilespmem:$0x10200] =	vst v63  }
0x10c: {  	_ = 	snop  }
0x10d: {  	[tilespmem:s31], [sflag:$0x1] =	stream.indirect_vreg.gather [hbm4b:s10+s1], $0x80, v3, vm0, $0xb8;
	[tilespmem:$0x10200] =	vst v63  }
0x10e: {  	_ =	swait.ge [sflag:s12], $0x8000  }
0x10f: {  	[sflag:s12] =	ssyncset.done $0x0  }
0x110: {  	s4 =	simm.s32 $0x0;
	[sflag:s12] =	ssyncadd.s32 $0xFFFF8000  }
.LBB2_6:
0x111: {  	s5 =	sshll.u32 s4, $0xA;
	s6 =	sshll.u32 s4, $0x7  }
0x112: {  	s5 =	sand.u32 $0x6000, s5;
	s6 =	sand.u32 $0x380, s6  }
0x113: {  	s19 =	sand.u32 $0x1C00, s1;
	s5 =	sor.u32 s5, s6  }
0x114: {  	v3 =	vld.msk [tilespmem:s4+$0x100 ss:$0x0], $0xffff;
	s7 =	sand.u32 $0x70, s1;
	s6 =	sor.u32 s19, s5  }
0x115: {  	v4 =	vld.msk [tilespmem:s4+$0x180 ss:$0x0], $0xffff;
	s6 =	sor.u32 s7, s6  }
0x116: {  	v5 =	vld [tilespmem:s6+$0x8200]  }
0x117: {  	v6 =	vld [tilespmem:s6+$0x200];
	_ =	sdelay $0x4  }
0x118: {  	s7 =	simm.s32 $0x80;
	v6 =	vmul.f32 v6, v3;
	v5 =	vmul.f32 v5, v4  }
0x119: {  	s11 =	simm.s32 $0x10;
	s19 =	sand.u32 $0x1C00, s7  }
0x11a: {  	s13 =	sand.u32 $0x70, s11;
	s11 =	simm.s32 $0x20;
	s19 =	sor.u32 s19, s5;
	v5 =	vadd.f32 v5, v6  }
.LBB2_7:
0x11b: {  	p0 =	sne.s32 s11, $0x3F0;
	s13 =	sor.u32 s13, s19  }
0x11c: {  	v6 =	vld [tilespmem:s13+$0x8200];
	[tilespmem:s6+$0x200] =	vst v5;
	s6 =	smov.u32 s13  }
0x11d: {  	v5 =	vld [tilespmem:s6+$0x200];
	_ =	sdelay $0x2  }
.Ltmp2:
0x11e: {  	(pc) =	sbr.rel @p0 .LBB2_7-.Ltmp2, $4  }
0x11f: {  	_ = 	snop  }
0x120: {  	s7 =	sadd.s32 $0x80, s7;
	v6 =	vmul.f32 v6, v4;
	v5 =	vmul.f32 v5, v3  }
0x121: {  	s19 =	sand.u32 $0x1C00, s7  }
0x122: {  	s13 =	sand.u32 $0x70, s11;
	s11 =	sadd.s32 $0x10, s11;
	s19 =	sor.u32 s19, s5;
	v5 =	vadd.f32 v6, v5  }
0x123: {  	s5 =	sor.u32 s13, s19  }
0x124: {  	v6 =	vld [tilespmem:s5+$0x8200];
	[tilespmem:s6+$0x200] =	vst v5  }
0x125: {  	v5 =	vld [tilespmem:s5+$0x200];
	_ =	sdelay $0x2  }
0x126: {  	s4 =	sadd.s32 $0x1, s4  }
0x127: {  	p0 =	sne.s32 s4, $0x20  }
.Ltmp3:
0x128: {  	v4 =	vmul.f32 v6, v4;
	v3 =	vmul.f32 v5, v3;
	(pc) =	sbr.rel @p0 .LBB2_6-.Ltmp3, $3  }
0x129: {  	_ = 	snop  }
0x12a: {  	v3 =	vadd.f32 v4, v3;
	_ =	sdelay $0x1  }
0x12b: {  	[tilespmem:s5+$0x200] =	vst v3  }
0x12c: {  	s1 =	rddreg [dreg:$0xc]  }
0x12d: {  	[hbm4b:s1+s2] =	stream.linear.scatter [tilespmem:s22], [sflag:$0x2], $0x8000, $0x38;
	[tilespmem:$0x10200] =	vst v63  }
0x12e: {  	_ =	swait.ge [sflag:s18], $0x8000  }
0x12f: {  	s0 =	sadd.s32 $0x1, s0;
	s19 =	rddreg [dreg:$0xd]  }
0x130: {  	p0 =	sne.s32 s0, s19  }
.Ltmp4:
0x131: {  	_ = 	snop;
	(pc) =	sbr.rel @p0 .LBB2_1-.Ltmp4, $3  }
0x132: {  	_ =	sdelay $0x1  }
0x133: {  	[sflag:s18] =	ssyncset.done $0x0  }
0x134: {  	[sflag:s18] =	ssyncadd.s32 $0xFFFF8000;
	s19 =	simm.s32 $0x80  }
0x135: {  	_ =	sfence.sel $0x180000  }
0x136: {  	[bflag:$0x0] =	sbarrier.arrive $0xFFFF  }
0x137: {  	_ =	strace $0x9000004A  }
0x138: {  	s0 =	stileid.u32;
	[bflag:$0x2] =	sbarrier.arrive $0xFFFF  }
0x139: {  	p0 =	sne.s32 s0, $0x0;
	s0 =	rddreg [dreg:$0x2]  }
0x13a: {  	s0 =	sadd.s32 @!p0 $0x100000, s0  }
0x13b: {  	[sflag:s0] =	ssyncadd.tile.s32 @!p0 $0x1;
	_ =	shalt  }
.Lfunc_end2:
_tile_overlayer_lowered:
.L_overlay_start_2:
0x13c: {  	(tag) =	ssettag $0x2  }
0x13d: {  	s0 =	rddreg [dreg:$0x0];
	s2 =	stileid.u32  }
0x13e: {  	s1 =	rddreg [dreg:$0x1];
	p0 =	sne.s32 s2, $0x0  }
0x13f: {  	s3 =	rddreg [dreg:$0x2];
	[bflag:$0x3] =	sbarrier.arrive $0xFFFF;
	s2 =	simm.s32 @!p0 $0x1C02  }
0x140: {  	[timem:s3], [sflag:s2] =	dma.local @!p0 [hbm:s0], s1  }
0x141: {  	s0 =	simm.s32 @!p0 $0x2  }
0x142: {  	_ =	swait.ge @!p0 [sflag:s0], s1  }
0x143: {  	s1 =	ssub.s32 @!p0 $0x0, s1;
	[sflag:s0] =	ssyncset.done @!p0 $0x0  }
0x144: {  	[sflag:s0] =	ssyncadd.s32 @!p0 s1  }
0x145: {  	[bflag:$0x3] =	sbarrier.arrive $0xFFFF  }
0x146: {  	_ =	shalt  }

</sc_bundles>
